<compile_context>
chip_gen: v7x
topology: tpu7x:2x2x1
jax: 0.10.2.dev20260603
libtpu: 0.0.44.dev20260713+nightly
codegen_flags: <defaults>
</compile_context>

<pallas_src>
import functools

import jax
import jax.numpy as jnp
from jax import lax
from jax.experimental import pallas as pl
from jax.experimental.pallas import tpu as pltpu
from jax.experimental.pallas import tpu_sc as plsc

N_E = 1024
D = 64
RB = 576
NB = 8
N_ROWS = RB * NB
NW = 16
B_PER_W = N_ROWS // NW
CHUNK = 72
N_CHUNKS = B_PER_W // CHUNK
LANES = 16
LOSS_SCALE = 0.5 / float(N_ROWS * D)


CBASE = 8388608.0


def _vq_body(x_ref, w_ref, idx_ref, loss_ref):
    w = w_ref[...]
    wn2 = jnp.sum(w * w, axis=1)
    wn = jnp.sqrt(wn2)
    colf = (lax.broadcasted_iota(jnp.int32, (RB, N_E), 1).astype(jnp.float32)
            + CBASE)
    total = jnp.zeros((1, 1), jnp.float32)
    for b in range(NB):
        x = x_ref[pl.ds(b * RB, RB), :]
        num = lax.dot_general(x, w, (((1,), (1,)), ((), ())))
        xn2 = jnp.sum(x * x, axis=1, keepdims=True)
        xn = jnp.sqrt(xn2)
        denom = jnp.maximum(xn * wn[None, :], 1e-8)
        dist = 1.0 - num / denom
        dmin = jnp.min(dist, axis=1, keepdims=True)
        mask = dist == dmin
        idxf = jnp.min(jnp.where(mask, colf, jnp.inf), axis=1)
        idx_ref[pl.ds(b * RB, RB)] = (idxf - CBASE).astype(jnp.int32)
        wn2sel = jnp.max(jnp.where(mask, wn2[None, :], -jnp.inf),
                         axis=1, keepdims=True)
        numsel = (1.0 - dmin) * xn * jnp.sqrt(wn2sel)
        rowe = xn2 - 2.0 * numsel + wn2sel
        total += jnp.sum(rowe).reshape(1, 1)
    loss_ref[...] = total * LOSS_SCALE


_vq_call = pl.pallas_call(
    _vq_body,
    out_shape=[
        jax.ShapeDtypeStruct((N_ROWS,), jnp.int32),
        jax.ShapeDtypeStruct((1, 1), jnp.float32),
    ],
)


@functools.lru_cache(maxsize=1)
def _make_sc_gather():
    mesh = plsc.VectorSubcoreMesh(core_axis_name="c", subcore_axis_name="s", num_cores=1)

    @functools.partial(
        pl.kernel,
        mesh=mesh,
        out_type=jax.ShapeDtypeStruct((N_ROWS, D), jnp.float32),
        compiler_params=pltpu.CompilerParams(use_tc_tiling_on_sc=False,
                                             skip_device_barrier=True),
        scratch_types=[
            pltpu.VMEM((B_PER_W,), jnp.int32),
            pltpu.VMEM((B_PER_W, D), jnp.float32),
            pltpu.SemaphoreType.DMA,
        ],
    )
    def gather(table_hbm, idx_hbm, out_hbm, idx_v, rows_v, sem_g):
        wid = lax.axis_index("s")
        base = wid * B_PER_W
        pltpu.sync_copy(idx_hbm.at[pl.ds(base, B_PER_W)], idx_v)
        gathers = [
            pltpu.async_copy(
                table_hbm.at[idx_v.at[pl.ds(j * CHUNK, CHUNK)]],
                rows_v.at[pl.ds(j * CHUNK, CHUNK)],
                sem_g,
            )
            for j in range(N_CHUNKS)
        ]
        for g in gathers:
            g.wait()
        pltpu.sync_copy(rows_v, out_hbm.at[pl.ds(base, B_PER_W)])

    return gather


def kernel(inputs, weight):
    flat = inputs.reshape(N_ROWS, D)
    idx_flat, loss_sum = _vq_call(flat, weight)
    q = _make_sc_gather()(weight, idx_flat)
    quantized = q.reshape(inputs.shape)
    loss = loss_sum[0, 0]
    return quantized, loss, idx_flat[:, None]

# --- scband reference (transcript-rebuilt; emitter-appended) ---
"""Pipeline reference for scband-vector-quantizer-25503515804103 (READ-ONLY COPY).

The authoritative reference and input builder live on the scoring server;
editing this copy changes nothing except your own understanding.
"""

import jax, jax.numpy as jnp
import numpy as np

NUM_EMBEDDINGS = 1024
EMBEDDING_DIM = 64
COMMITMENT_COST = 0.25


def setup_inputs(seed: int = 0):
    key = jax.random.key(seed)
    k1, k2 = jax.random.split(key)
    inputs = jax.random.normal(k1, (8, 576, EMBEDDING_DIM), dtype=jnp.float32)
    bound = 1.0 / np.sqrt(NUM_EMBEDDINGS)
    weight = jax.random.uniform(k2, (NUM_EMBEDDINGS, EMBEDDING_DIM), minval=-bound, maxval=bound, dtype=jnp.float32)
    return {"inputs": inputs, "weight": weight}


def reference(inputs, weight):
    flat_input = inputs.reshape(-1, EMBEDDING_DIM)
    # cosine distance: 1 - cos_sim(flat_input, weight), computed as normalized matmul
    # (mathematically identical to F.cosine_similarity with broadcasting, eps=1e-8)
    num = flat_input @ weight.T
    x_norm = jnp.linalg.norm(flat_input, axis=1)
    w_norm = jnp.linalg.norm(weight, axis=1)
    denom = jnp.maximum(x_norm[:, None] * w_norm[None, :], 1e-8)
    distances = 1.0 - num / denom
    encoding_indices = jnp.argmin(distances, axis=1)[:, None]
    encodings = jax.nn.one_hot(encoding_indices[:, 0], NUM_EMBEDDINGS, dtype=jnp.float32)
    quantized = (encodings @ weight).reshape(inputs.shape)
    e_latent_loss = jnp.mean((jax.lax.stop_gradient(quantized) - inputs) ** 2)
    q_latent_loss = jnp.mean((quantized - jax.lax.stop_gradient(inputs)) ** 2)
    loss = 0.25 * q_latent_loss + COMMITMENT_COST * e_latent_loss
    quantized_st = inputs + jax.lax.stop_gradient(quantized - inputs)
    return (quantized_st, loss, encoding_indices)

if __name__ == "__main__":
    import jax
    _d = setup_inputs()
    print(jax.jit(kernel)(*tuple(_d.values())))

</pallas_src>

<mosaic_0001>
#map = affine_map<(d0, d1) -> (0, 0)>
#map1 = affine_map<(d0, d1) -> (0)>
module attributes {stable_mosaic.version = 14 : i64} {
  func.func @gather(%arg0: i32, %arg1: i32, %arg2: memref<1024x64xf32, #tpu.memory_space<hbm>>, %arg3: memref<4608xi32, #tpu.memory_space<hbm>>, %arg4: memref<4608x64xf32, #tpu.memory_space<hbm>>, %arg5: memref<288xi32, #tpu.memory_space<vmem>>, %arg6: memref<288x64xf32, #tpu.memory_space<vmem>>, %arg7: memref<!tpu.dma_semaphore, #tpu.memory_space<semaphore_mem>>) attributes {dimension_semantics = [#tpu.dimension_semantics<core_parallel>, #tpu.dimension_semantics<subcore_parallel>], iteration_bounds = array<i64: 1, 16>, scalar_prefetch = 0 : i64, scratch_operands = 3 : i64, tpu.core_type = #tpu.core_type<sc_vector_subcore>, window_params = [{transform_indices = #map}, {transform_indices = #map1}, {transform_indices = #map}]} {
    %mul3A = arith.constant 288 : i32
    %mul3A_0 = arith.muli %arg1, %mul3A : i32
    "tpu.region"() ({
      %run_scoped3A = tpu.sem_alloc : memref<!tpu.dma_semaphore, #tpu.memory_space<semaphore_mem>>
      %dma_start3A_63 = tpu.memref_slice %arg3[%mul3A_0] : memref<4608xi32, #tpu.memory_space<hbm>> -> memref<288xi32, #tpu.memory_space<hbm>>
      %dma_start3A_64 = tpu.memref_slice %arg3[%mul3A_0] : memref<4608xi32, #tpu.memory_space<hbm>> -> memref<288xi32, #tpu.memory_space<hbm>>
      tpu.enqueue_dma source(%dma_start3A_64 : memref<288xi32, #tpu.memory_space<hbm>>) target(%arg5 : memref<288xi32, #tpu.memory_space<vmem>>) target_semaphore(%run_scoped3A : memref<!tpu.dma_semaphore, #tpu.memory_space<semaphore_mem>>)
      %dma_wait3A_65 = tpu.memref_slice %arg3[%mul3A_0] : memref<4608xi32, #tpu.memory_space<hbm>> -> memref<288xi32, #tpu.memory_space<hbm>>
      %dma_wait3A_66 = tpu.memref_slice %arg3[%mul3A_0] : memref<4608xi32, #tpu.memory_space<hbm>> -> memref<288xi32, #tpu.memory_space<hbm>>
      tpu.wait_dma2 semaphore(%run_scoped3A : memref<!tpu.dma_semaphore, #tpu.memory_space<semaphore_mem>>) src(%dma_wait3A_66 : memref<288xi32, #tpu.memory_space<hbm>>) dst(%arg5 : memref<288xi32, #tpu.memory_space<vmem>>)
      tpu.yield
    }) : () -> ()
    %dma_start3A = arith.constant 0 : i32
    %dma_start3A_1 = arith.constant 0 : i32
    %dma_start3A_2 = tpu.memref_slice %arg6[%dma_start3A, %dma_start3A_1] : memref<288x64xf32, #tpu.memory_space<vmem>> -> memref<72x64xf32, #tpu.memory_space<vmem>>
    %dma_start3A_3 = arith.constant 0 : i32
    %dma_start3A_4 = tpu.memref_slice %arg5[%dma_start3A_3] : memref<288xi32, #tpu.memory_space<vmem>> -> memref<72xi32, #tpu.memory_space<vmem>>
    %dma_start3A_5 = arith.constant 0 : i32
    %dma_start3A_6 = arith.constant 0 : i32
    %dma_start3A_7 = tpu.memref_slice %arg2[%dma_start3A_5, %dma_start3A_6] : memref<1024x64xf32, #tpu.memory_space<hbm>> -> memref<1024x64xf32, #tpu.memory_space<hbm>>
    tpu.enqueue_indirect_dma source(%dma_start3A_7 : memref<1024x64xf32, #tpu.memory_space<hbm>>) target(%dma_start3A_2 : memref<72x64xf32, #tpu.memory_space<vmem>>) offsets(%dma_start3A_4 : memref<72xi32, #tpu.memory_space<vmem>>) semaphore(%arg7 : memref<!tpu.dma_semaphore, #tpu.memory_space<semaphore_mem>>)
    %dma_start3A_8 = arith.constant 72 : i32
    %dma_start3A_9 = arith.constant 0 : i32
    %dma_start3A_10 = tpu.memref_slice %arg6[%dma_start3A_8, %dma_start3A_9] : memref<288x64xf32, #tpu.memory_space<vmem>> -> memref<72x64xf32, #tpu.memory_space<vmem>>
    %dma_start3A_11 = arith.constant 72 : i32
    %dma_start3A_12 = tpu.memref_slice %arg5[%dma_start3A_11] : memref<288xi32, #tpu.memory_space<vmem>> -> memref<72xi32, #tpu.memory_space<vmem>>
    %dma_start3A_13 = arith.constant 0 : i32
    %dma_start3A_14 = arith.constant 0 : i32
    %dma_start3A_15 = tpu.memref_slice %arg2[%dma_start3A_13, %dma_start3A_14] : memref<1024x64xf32, #tpu.memory_space<hbm>> -> memref<1024x64xf32, #tpu.memory_space<hbm>>
    tpu.enqueue_indirect_dma source(%dma_start3A_15 : memref<1024x64xf32, #tpu.memory_space<hbm>>) target(%dma_start3A_10 : memref<72x64xf32, #tpu.memory_space<vmem>>) offsets(%dma_start3A_12 : memref<72xi32, #tpu.memory_space<vmem>>) semaphore(%arg7 : memref<!tpu.dma_semaphore, #tpu.memory_space<semaphore_mem>>)
    %dma_start3A_16 = arith.constant 144 : i32
    %dma_start3A_17 = arith.constant 0 : i32
    %dma_start3A_18 = tpu.memref_slice %arg6[%dma_start3A_16, %dma_start3A_17] : memref<288x64xf32, #tpu.memory_space<vmem>> -> memref<72x64xf32, #tpu.memory_space<vmem>>
    %dma_start3A_19 = arith.constant 144 : i32
    %dma_start3A_20 = tpu.memref_slice %arg5[%dma_start3A_19] : memref<288xi32, #tpu.memory_space<vmem>> -> memref<72xi32, #tpu.memory_space<vmem>>
    %dma_start3A_21 = arith.constant 0 : i32
    %dma_start3A_22 = arith.constant 0 : i32
    %dma_start3A_23 = tpu.memref_slice %arg2[%dma_start3A_21, %dma_start3A_22] : memref<1024x64xf32, #tpu.memory_space<hbm>> -> memref<1024x64xf32, #tpu.memory_space<hbm>>
    tpu.enqueue_indirect_dma source(%dma_start3A_23 : memref<1024x64xf32, #tpu.memory_space<hbm>>) target(%dma_start3A_18 : memref<72x64xf32, #tpu.memory_space<vmem>>) offsets(%dma_start3A_20 : memref<72xi32, #tpu.memory_space<vmem>>) semaphore(%arg7 : memref<!tpu.dma_semaphore, #tpu.memory_space<semaphore_mem>>)
    %dma_start3A_24 = arith.constant 216 : i32
    %dma_start3A_25 = arith.constant 0 : i32
    %dma_start3A_26 = tpu.memref_slice %arg6[%dma_start3A_24, %dma_start3A_25] : memref<288x64xf32, #tpu.memory_space<vmem>> -> memref<72x64xf32, #tpu.memory_space<vmem>>
    %dma_start3A_27 = arith.constant 216 : i32
    %dma_start3A_28 = tpu.memref_slice %arg5[%dma_start3A_27] : memref<288xi32, #tpu.memory_space<vmem>> -> memref<72xi32, #tpu.memory_space<vmem>>
    %dma_start3A_29 = arith.constant 0 : i32
    %dma_start3A_30 = arith.constant 0 : i32
    %dma_start3A_31 = tpu.memref_slice %arg2[%dma_start3A_29, %dma_start3A_30] : memref<1024x64xf32, #tpu.memory_space<hbm>> -> memref<1024x64xf32, #tpu.memory_space<hbm>>
    tpu.enqueue_indirect_dma source(%dma_start3A_31 : memref<1024x64xf32, #tpu.memory_space<hbm>>) target(%dma_start3A_26 : memref<72x64xf32, #tpu.memory_space<vmem>>) offsets(%dma_start3A_28 : memref<72xi32, #tpu.memory_space<vmem>>) semaphore(%arg7 : memref<!tpu.dma_semaphore, #tpu.memory_space<semaphore_mem>>)
    %dma_wait3A = arith.constant 0 : i32
    %dma_wait3A_32 = arith.constant 0 : i32
    %dma_wait3A_33 = tpu.memref_slice %arg6[%dma_wait3A, %dma_wait3A_32] : memref<288x64xf32, #tpu.memory_space<vmem>> -> memref<72x64xf32, #tpu.memory_space<vmem>>
    %dma_wait3A_34 = arith.constant 0 : i32
    %dma_wait3A_35 = tpu.memref_slice %arg5[%dma_wait3A_34] : memref<288xi32, #tpu.memory_space<vmem>> -> memref<72xi32, #tpu.memory_space<vmem>>
    %dma_wait3A_36 = arith.constant 0 : i32
    %dma_wait3A_37 = arith.constant 0 : i32
    %dma_wait3A_38 = tpu.memref_slice %arg2[%dma_wait3A_36, %dma_wait3A_37] : memref<1024x64xf32, #tpu.memory_space<hbm>> -> memref<1024x64xf32, #tpu.memory_space<hbm>>
    tpu.wait_indirect_dma semaphore(%arg7 : memref<!tpu.dma_semaphore, #tpu.memory_space<semaphore_mem>>) src(%dma_wait3A_38 : memref<1024x64xf32, #tpu.memory_space<hbm>>) dst(%dma_wait3A_33 : memref<72x64xf32, #tpu.memory_space<vmem>>)
    %dma_wait3A_39 = arith.constant 72 : i32
    %dma_wait3A_40 = arith.constant 0 : i32
    %dma_wait3A_41 = tpu.memref_slice %arg6[%dma_wait3A_39, %dma_wait3A_40] : memref<288x64xf32, #tpu.memory_space<vmem>> -> memref<72x64xf32, #tpu.memory_space<vmem>>
    %dma_wait3A_42 = arith.constant 72 : i32
    %dma_wait3A_43 = tpu.memref_slice %arg5[%dma_wait3A_42] : memref<288xi32, #tpu.memory_space<vmem>> -> memref<72xi32, #tpu.memory_space<vmem>>
    %dma_wait3A_44 = arith.constant 0 : i32
    %dma_wait3A_45 = arith.constant 0 : i32
    %dma_wait3A_46 = tpu.memref_slice %arg2[%dma_wait3A_44, %dma_wait3A_45] : memref<1024x64xf32, #tpu.memory_space<hbm>> -> memref<1024x64xf32, #tpu.memory_space<hbm>>
    tpu.wait_indirect_dma semaphore(%arg7 : memref<!tpu.dma_semaphore, #tpu.memory_space<semaphore_mem>>) src(%dma_wait3A_46 : memref<1024x64xf32, #tpu.memory_space<hbm>>) dst(%dma_wait3A_41 : memref<72x64xf32, #tpu.memory_space<vmem>>)
    %dma_wait3A_47 = arith.constant 144 : i32
    %dma_wait3A_48 = arith.constant 0 : i32
    %dma_wait3A_49 = tpu.memref_slice %arg6[%dma_wait3A_47, %dma_wait3A_48] : memref<288x64xf32, #tpu.memory_space<vmem>> -> memref<72x64xf32, #tpu.memory_space<vmem>>
    %dma_wait3A_50 = arith.constant 144 : i32
    %dma_wait3A_51 = tpu.memref_slice %arg5[%dma_wait3A_50] : memref<288xi32, #tpu.memory_space<vmem>> -> memref<72xi32, #tpu.memory_space<vmem>>
    %dma_wait3A_52 = arith.constant 0 : i32
    %dma_wait3A_53 = arith.constant 0 : i32
    %dma_wait3A_54 = tpu.memref_slice %arg2[%dma_wait3A_52, %dma_wait3A_53] : memref<1024x64xf32, #tpu.memory_space<hbm>> -> memref<1024x64xf32, #tpu.memory_space<hbm>>
    tpu.wait_indirect_dma semaphore(%arg7 : memref<!tpu.dma_semaphore, #tpu.memory_space<semaphore_mem>>) src(%dma_wait3A_54 : memref<1024x64xf32, #tpu.memory_space<hbm>>) dst(%dma_wait3A_49 : memref<72x64xf32, #tpu.memory_space<vmem>>)
    %dma_wait3A_55 = arith.constant 216 : i32
    %dma_wait3A_56 = arith.constant 0 : i32
    %dma_wait3A_57 = tpu.memref_slice %arg6[%dma_wait3A_55, %dma_wait3A_56] : memref<288x64xf32, #tpu.memory_space<vmem>> -> memref<72x64xf32, #tpu.memory_space<vmem>>
    %dma_wait3A_58 = arith.constant 216 : i32
    %dma_wait3A_59 = tpu.memref_slice %arg5[%dma_wait3A_58] : memref<288xi32, #tpu.memory_space<vmem>> -> memref<72xi32, #tpu.memory_space<vmem>>
    %dma_wait3A_60 = arith.constant 0 : i32
    %dma_wait3A_61 = arith.constant 0 : i32
    %dma_wait3A_62 = tpu.memref_slice %arg2[%dma_wait3A_60, %dma_wait3A_61] : memref<1024x64xf32, #tpu.memory_space<hbm>> -> memref<1024x64xf32, #tpu.memory_space<hbm>>
    tpu.wait_indirect_dma semaphore(%arg7 : memref<!tpu.dma_semaphore, #tpu.memory_space<semaphore_mem>>) src(%dma_wait3A_62 : memref<1024x64xf32, #tpu.memory_space<hbm>>) dst(%dma_wait3A_57 : memref<72x64xf32, #tpu.memory_space<vmem>>)
    "tpu.region"() ({
      %run_scoped3A = tpu.sem_alloc : memref<!tpu.dma_semaphore, #tpu.memory_space<semaphore_mem>>
      %dma_start3A_63 = arith.constant 0 : i32
      %dma_start3A_64 = tpu.memref_slice %arg4[%mul3A_0, %dma_start3A_63] : memref<4608x64xf32, #tpu.memory_space<hbm>> -> memref<288x64xf32, #tpu.memory_space<hbm>>
      %dma_start3A_65 = arith.constant 0 : i32
      %dma_start3A_66 = tpu.memref_slice %arg4[%mul3A_0, %dma_start3A_65] : memref<4608x64xf32, #tpu.memory_space<hbm>> -> memref<288x64xf32, #tpu.memory_space<hbm>>
      tpu.enqueue_dma source(%arg6 : memref<288x64xf32, #tpu.memory_space<vmem>>) target(%dma_start3A_66 : memref<288x64xf32, #tpu.memory_space<hbm>>) target_semaphore(%run_scoped3A : memref<!tpu.dma_semaphore, #tpu.memory_space<semaphore_mem>>)
      %dma_wait3A_67 = arith.constant 0 : i32
      %dma_wait3A_68 = tpu.memref_slice %arg4[%mul3A_0, %dma_wait3A_67] : memref<4608x64xf32, #tpu.memory_space<hbm>> -> memref<288x64xf32, #tpu.memory_space<hbm>>
      %dma_wait3A_69 = arith.constant 0 : i32
      %dma_wait3A_70 = tpu.memref_slice %arg4[%mul3A_0, %dma_wait3A_69] : memref<4608x64xf32, #tpu.memory_space<hbm>> -> memref<288x64xf32, #tpu.memory_space<hbm>>
      tpu.wait_dma2 semaphore(%run_scoped3A : memref<!tpu.dma_semaphore, #tpu.memory_space<semaphore_mem>>) src(%arg6 : memref<288x64xf32, #tpu.memory_space<vmem>>) dst(%dma_wait3A_70 : memref<288x64xf32, #tpu.memory_space<hbm>>)
      tpu.yield
    }) : () -> ()
    return
  }
}

module attributes {stable_mosaic.version = 14 : i64} {
  func.func @_vq_body(%arg0: memref<4608x64xf32, #tpu.memory_space<vmem>>, %arg1: memref<1024x64xf32, #tpu.memory_space<vmem>>, %arg2: memref<4608xi32, #tpu.memory_space<vmem>>, %arg3: memref<1x1xf32, #tpu.memory_space<vmem>>) attributes {dimension_semantics = [], scalar_prefetch = 0 : i64, scratch_operands = 0 : i64, tpu.core_type = #tpu.core_type<tc>} {
    %get3A = arith.constant 0 : index
    %get3A_0 = arith.constant 0 : index
    %get3A_1 = vector.load %arg1[%get3A, %get3A_0] : memref<1024x64xf32, #tpu.memory_space<vmem>>, vector<1024x64xf32>
    %mul3A = arith.mulf %get3A_1, %get3A_1 : vector<1024x64xf32>
    %reduce_sum3A = arith.constant dense<0.000000e+00> : vector<1024xf32>
    %reduce_sum3A_2 = vector.multi_reduction <add>, %mul3A, %reduce_sum3A [1] : vector<1024x64xf32> to vector<1024xf32>
    %sqrt3A = math.sqrt %reduce_sum3A_2 : vector<1024xf32>
    %iota3A = tpu.iota {dimensions = array<i32: 1>} : vector<576x1024xi32>
    %convert_element_type3A = arith.sitofp %iota3A : vector<576x1024xi32> to vector<576x1024xf32>
    %add3A = arith.constant 0x4B000000 : f32
    %add3A_3 = vector.broadcast %add3A : f32 to vector<576x1024xf32>
    %add3A_4 = arith.addf %convert_element_type3A, %add3A_3 : vector<576x1024xf32>
    %broadcast_in_dim3A = arith.constant 0.000000e+00 : f32
    %broadcast_in_dim3A_5 = vector.broadcast %broadcast_in_dim3A : f32 to vector<1x1xf32>
    %get3A_6 = arith.constant 0 : index
    %get3A_7 = arith.constant 0 : index
    %get3A_8 = vector.load %arg0[%get3A_6, %get3A_7] : memref<4608x64xf32, #tpu.memory_space<vmem>>, vector<576x64xf32>
    %dot_general3A = arith.constant dense<0.000000e+00> : vector<576x1024xf32>
    %dot_general3A_9 = tpu.matmul %get3A_8, %get3A_1, %dot_general3A {dimension_numbers = #tpu.dot_dimension_numbers<[1], [1], [0], [0], [0, 0, 1, 0], [], []>, transpose_lhs_hint = false} : vector<576x64xf32>, vector<1024x64xf32>, vector<576x1024xf32> -> vector<576x1024xf32>
    %mul3A_10 = arith.mulf %get3A_8, %get3A_8 : vector<576x64xf32>
    %reduce_sum3A_11 = arith.constant dense<0.000000e+00> : vector<576xf32>
    %reduce_sum3A_12 = vector.multi_reduction <add>, %mul3A_10, %reduce_sum3A_11 [1] : vector<576x64xf32> to vector<576xf32>
    %broadcast_in_dim3A_13 = vector.shape_cast %reduce_sum3A_12 : vector<576xf32> to vector<576x1xf32>
    %sqrt3A_14 = math.sqrt %broadcast_in_dim3A_13 : vector<576x1xf32>
    %broadcast_in_dim3A_15 = vector.shape_cast %sqrt3A : vector<1024xf32> to vector<1x1024xf32>
    %mul3A_16 = vector.broadcast %sqrt3A_14 : vector<576x1xf32> to vector<576x1024xf32>
    %mul3A_17 = vector.broadcast %broadcast_in_dim3A_15 : vector<1x1024xf32> to vector<576x1024xf32>
    %mul3A_18 = arith.mulf %mul3A_16, %mul3A_17 : vector<576x1024xf32>
    %max3A = arith.constant 9.99999993E-9 : f32
    %max3A_19 = vector.broadcast %max3A : f32 to vector<576x1024xf32>
    %max3A_20 = arith.maximumf %mul3A_18, %max3A_19 : vector<576x1024xf32>
    %div3A = arith.divf %dot_general3A_9, %max3A_20 : vector<576x1024xf32>
    %sub3A = arith.constant 1.000000e+00 : f32
    %sub3A_21 = vector.broadcast %sub3A : f32 to vector<576x1024xf32>
    %sub3A_22 = arith.subf %sub3A_21, %div3A : vector<576x1024xf32>
    %reduce_min3A = arith.constant dense<0x7F800000> : vector<576xf32>
    %reduce_min3A_23 = vector.multi_reduction <minimumf>, %sub3A_22, %reduce_min3A [1] : vector<576x1024xf32> to vector<576xf32>
    %broadcast_in_dim3A_24 = vector.shape_cast %reduce_min3A_23 : vector<576xf32> to vector<576x1xf32>
    %eq3A = vector.broadcast %broadcast_in_dim3A_24 : vector<576x1xf32> to vector<576x1024xf32>
    %eq3A_25 = arith.cmpf oeq, %sub3A_22, %eq3A : vector<576x1024xf32>
    %jit3A = arith.constant 0x7F800000 : f32
    %broadcast_in_dim3A_26 = vector.broadcast %jit3A : f32 to vector<576x1024xf32>
    %select_n3A = arith.select %eq3A_25, %add3A_4, %broadcast_in_dim3A_26 : vector<576x1024xi1>, vector<576x1024xf32>
    %reduce_min3A_27 = arith.constant dense<0x7F800000> : vector<576xf32>
    %reduce_min3A_28 = vector.multi_reduction <minimumf>, %select_n3A, %reduce_min3A_27 [1] : vector<576x1024xf32> to vector<576xf32>
    %sub3A_29 = arith.constant 0x4B000000 : f32
    %sub3A_30 = vector.broadcast %sub3A_29 : f32 to vector<576xf32>
    %sub3A_31 = arith.subf %reduce_min3A_28, %sub3A_30 : vector<576xf32>
    %convert_element_type3A_32 = arith.fptosi %sub3A_31 : vector<576xf32> to vector<576xi32>
    %swap3A = arith.constant 0 : index
    %swap3A_33 = vector.load %arg2[%swap3A] : memref<4608xi32, #tpu.memory_space<vmem>>, vector<576xi32>
    tpu.vector_store %arg2[%swap3A], %convert_element_type3A_32 {strides = array<i32>} : memref<4608xi32, #tpu.memory_space<vmem>>, vector<576xi32>,
    %broadcast_in_dim3A_34 = vector.shape_cast %reduce_sum3A_2 : vector<1024xf32> to vector<1x1024xf32>
    %jit3A_35 = arith.constant 0xFF800000 : f32
    %broadcast_in_dim3A_36 = vector.shape_cast %broadcast_in_dim3A_34 : vector<1x1024xf32> to vector<1x1024xf32>
    %broadcast_in_dim3A_37 = vector.broadcast %broadcast_in_dim3A_36 : vector<1x1024xf32> to vector<576x1024xf32>
    %broadcast_in_dim3A_38 = vector.broadcast %jit3A_35 : f32 to vector<576x1024xf32>
    %select_n3A_39 = arith.select %eq3A_25, %broadcast_in_dim3A_37, %broadcast_in_dim3A_38 : vector<576x1024xi1>, vector<576x1024xf32>
    %reduce_max3A = arith.constant dense<0xFF800000> : vector<576xf32>
    %reduce_max3A_40 = vector.multi_reduction <maximumf>, %select_n3A_39, %reduce_max3A [1] : vector<576x1024xf32> to vector<576xf32>
    %broadcast_in_dim3A_41 = vector.shape_cast %reduce_max3A_40 : vector<576xf32> to vector<576x1xf32>
    %sub3A_42 = arith.constant 1.000000e+00 : f32
    %sub3A_43 = vector.broadcast %sub3A_42 : f32 to vector<576x1xf32>
    %sub3A_44 = arith.subf %sub3A_43, %broadcast_in_dim3A_24 : vector<576x1xf32>
    %mul3A_45 = arith.mulf %sub3A_44, %sqrt3A_14 : vector<576x1xf32>
    %sqrt3A_46 = math.sqrt %broadcast_in_dim3A_41 : vector<576x1xf32>
    %mul3A_47 = arith.mulf %mul3A_45, %sqrt3A_46 : vector<576x1xf32>
    %mul3A_48 = arith.constant 2.000000e+00 : f32
    %mul3A_49 = vector.broadcast %mul3A_48 : f32 to vector<576x1xf32>
    %mul3A_50 = arith.mulf %mul3A_49, %mul3A_47 : vector<576x1xf32>
    %sub3A_51 = arith.subf %broadcast_in_dim3A_13, %mul3A_50 : vector<576x1xf32>
    %add3A_52 = arith.addf %sub3A_51, %broadcast_in_dim3A_41 : vector<576x1xf32>
    %reduce_sum3A_53 = vector.shape_cast %add3A_52 : vector<576x1xf32> to vector<1x576x1xf32>
    %reduce_sum3A_54 = arith.constant dense<0.000000e+00> : vector<1xf32>
    %reduce_sum3A_55 = vector.multi_reduction <add>, %reduce_sum3A_53, %reduce_sum3A_54 [1, 2] : vector<1x576x1xf32> to vector<1xf32>
    %reduce_sum3A_56 = vector.shape_cast %reduce_sum3A_55 : vector<1xf32> to vector<1x1x1xf32>
    %reduce_sum3A_57 = vector.extract %reduce_sum3A_56[0, 0, 0] : f32 from vector<1x1x1xf32>
    %reshape3A = vector.broadcast %reduce_sum3A_57 : f32 to vector<1x1xf32>
    %add3A_58 = arith.addf %broadcast_in_dim3A_5, %reshape3A : vector<1x1xf32>
    %get3A_59 = arith.constant 576 : index
    %get3A_60 = arith.constant 0 : index
    %get3A_61 = vector.load %arg0[%get3A_59, %get3A_60] : memref<4608x64xf32, #tpu.memory_space<vmem>>, vector<576x64xf32>
    %dot_general3A_62 = arith.constant dense<0.000000e+00> : vector<576x1024xf32>
    %dot_general3A_63 = tpu.matmul %get3A_61, %get3A_1, %dot_general3A_62 {dimension_numbers = #tpu.dot_dimension_numbers<[1], [1], [0], [0], [0, 0, 1, 0], [], []>, transpose_lhs_hint = false} : vector<576x64xf32>, vector<1024x64xf32>, vector<576x1024xf32> -> vector<576x1024xf32>
    %mul3A_64 = arith.mulf %get3A_61, %get3A_61 : vector<576x64xf32>
    %reduce_sum3A_65 = arith.constant dense<0.000000e+00> : vector<576xf32>
    %reduce_sum3A_66 = vector.multi_reduction <add>, %mul3A_64, %reduce_sum3A_65 [1] : vector<576x64xf32> to vector<576xf32>
    %broadcast_in_dim3A_67 = vector.shape_cast %reduce_sum3A_66 : vector<576xf32> to vector<576x1xf32>
    %sqrt3A_68 = math.sqrt %broadcast_in_dim3A_67 : vector<576x1xf32>
    %broadcast_in_dim3A_69 = vector.shape_cast %sqrt3A : vector<1024xf32> to vector<1x1024xf32>
    %mul3A_70 = vector.broadcast %sqrt3A_68 : vector<576x1xf32> to vector<576x1024xf32>
    %mul3A_71 = vector.broadcast %broadcast_in_dim3A_69 : vector<1x1024xf32> to vector<576x1024xf32>
    %mul3A_72 = arith.mulf %mul3A_70, %mul3A_71 : vector<576x1024xf32>
    %max3A_73 = arith.constant 9.99999993E-9 : f32
    %max3A_74 = vector.broadcast %max3A_73 : f32 to vector<576x1024xf32>
    %max3A_75 = arith.maximumf %mul3A_72, %max3A_74 : vector<576x1024xf32>
    %div3A_76 = arith.divf %dot_general3A_63, %max3A_75 : vector<576x1024xf32>
    %sub3A_77 = arith.constant 1.000000e+00 : f32
    %sub3A_78 = vector.broadcast %sub3A_77 : f32 to vector<576x1024xf32>
    %sub3A_79 = arith.subf %sub3A_78, %div3A_76 : vector<576x1024xf32>
    %reduce_min3A_80 = arith.constant dense<0x7F800000> : vector<576xf32>
    %reduce_min3A_81 = vector.multi_reduction <minimumf>, %sub3A_79, %reduce_min3A_80 [1] : vector<576x1024xf32> to vector<576xf32>
    %broadcast_in_dim3A_82 = vector.shape_cast %reduce_min3A_81 : vector<576xf32> to vector<576x1xf32>
    %eq3A_83 = vector.broadcast %broadcast_in_dim3A_82 : vector<576x1xf32> to vector<576x1024xf32>
    %eq3A_84 = arith.cmpf oeq, %sub3A_79, %eq3A_83 : vector<576x1024xf32>
    %jit3A_85 = arith.constant 0x7F800000 : f32
    %broadcast_in_dim3A_86 = vector.broadcast %jit3A_85 : f32 to vector<576x1024xf32>
    %select_n3A_87 = arith.select %eq3A_84, %add3A_4, %broadcast_in_dim3A_86 : vector<576x1024xi1>, vector<576x1024xf32>
    %reduce_min3A_88 = arith.constant dense<0x7F800000> : vector<576xf32>
    %reduce_min3A_89 = vector.multi_reduction <minimumf>, %select_n3A_87, %reduce_min3A_88 [1] : vector<576x1024xf32> to vector<576xf32>
    %sub3A_90 = arith.constant 0x4B000000 : f32
    %sub3A_91 = vector.broadcast %sub3A_90 : f32 to vector<576xf32>
    %sub3A_92 = arith.subf %reduce_min3A_89, %sub3A_91 : vector<576xf32>
    %convert_element_type3A_93 = arith.fptosi %sub3A_92 : vector<576xf32> to vector<576xi32>
    %swap3A_94 = arith.constant 576 : index
    %swap3A_95 = vector.load %arg2[%swap3A_94] : memref<4608xi32, #tpu.memory_space<vmem>>, vector<576xi32>
    tpu.vector_store %arg2[%swap3A_94], %convert_element_type3A_93 {strides = array<i32>} : memref<4608xi32, #tpu.memory_space<vmem>>, vector<576xi32>,
    %broadcast_in_dim3A_96 = vector.shape_cast %reduce_sum3A_2 : vector<1024xf32> to vector<1x1024xf32>
    %jit3A_97 = arith.constant 0xFF800000 : f32
    %broadcast_in_dim3A_98 = vector.shape_cast %broadcast_in_dim3A_96 : vector<1x1024xf32> to vector<1x1024xf32>
    %broadcast_in_dim3A_99 = vector.broadcast %broadcast_in_dim3A_98 : vector<1x1024xf32> to vector<576x1024xf32>
    %broadcast_in_dim3A_100 = vector.broadcast %jit3A_97 : f32 to vector<576x1024xf32>
    %select_n3A_101 = arith.select %eq3A_84, %broadcast_in_dim3A_99, %broadcast_in_dim3A_100 : vector<576x1024xi1>, vector<576x1024xf32>
    %reduce_max3A_102 = arith.constant dense<0xFF800000> : vector<576xf32>
    %reduce_max3A_103 = vector.multi_reduction <maximumf>, %select_n3A_101, %reduce_max3A_102 [1] : vector<576x1024xf32> to vector<576xf32>
    %broadcast_in_dim3A_104 = vector.shape_cast %reduce_max3A_103 : vector<576xf32> to vector<576x1xf32>
    %sub3A_105 = arith.constant 1.000000e+00 : f32
    %sub3A_106 = vector.broadcast %sub3A_105 : f32 to vector<576x1xf32>
    %sub3A_107 = arith.subf %sub3A_106, %broadcast_in_dim3A_82 : vector<576x1xf32>
    %mul3A_108 = arith.mulf %sub3A_107, %sqrt3A_68 : vector<576x1xf32>
    %sqrt3A_109 = math.sqrt %broadcast_in_dim3A_104 : vector<576x1xf32>
    %mul3A_110 = arith.mulf %mul3A_108, %sqrt3A_109 : vector<576x1xf32>
    %mul3A_111 = arith.constant 2.000000e+00 : f32
    %mul3A_112 = vector.broadcast %mul3A_111 : f32 to vector<576x1xf32>
    %mul3A_113 = arith.mulf %mul3A_112, %mul3A_110 : vector<576x1xf32>
    %sub3A_114 = arith.subf %broadcast_in_dim3A_67, %mul3A_113 : vector<576x1xf32>
    %add3A_115 = arith.addf %sub3A_114, %broadcast_in_dim3A_104 : vector<576x1xf32>
    %reduce_sum3A_116 = vector.shape_cast %add3A_115 : vector<576x1xf32> to vector<1x576x1xf32>
    %reduce_sum3A_117 = arith.constant dense<0.000000e+00> : vector<1xf32>
    %reduce_sum3A_118 = vector.multi_reduction <add>, %reduce_sum3A_116, %reduce_sum3A_117 [1, 2] : vector<1x576x1xf32> to vector<1xf32>
    %reduce_sum3A_119 = vector.shape_cast %reduce_sum3A_118 : vector<1xf32> to vector<1x1x1xf32>
    %reduce_sum3A_120 = vector.extract %reduce_sum3A_119[0, 0, 0] : f32 from vector<1x1x1xf32>
    %reshape3A_121 = vector.broadcast %reduce_sum3A_120 : f32 to vector<1x1xf32>
    %add3A_122 = arith.addf %add3A_58, %reshape3A_121 : vector<1x1xf32>
    %get3A_123 = arith.constant 1152 : index
    %get3A_124 = arith.constant 0 : index
    %get3A_125 = vector.load %arg0[%get3A_123, %get3A_124] : memref<4608x64xf32, #tpu.memory_space<vmem>>, vector<576x64xf32>
    %dot_general3A_126 = arith.constant dense<0.000000e+00> : vector<576x1024xf32>
    %dot_general3A_127 = tpu.matmul %get3A_125, %get3A_1, %dot_general3A_126 {dimension_numbers = #tpu.dot_dimension_numbers<[1], [1], [0], [0], [0, 0, 1, 0], [], []>, transpose_lhs_hint = false} : vector<576x64xf32>, vector<1024x64xf32>, vector<576x1024xf32> -> vector<576x1024xf32>
    %mul3A_128 = arith.mulf %get3A_125, %get3A_125 : vector<576x64xf32>
    %reduce_sum3A_129 = arith.constant dense<0.000000e+00> : vector<576xf32>
    %reduce_sum3A_130 = vector.multi_reduction <add>, %mul3A_128, %reduce_sum3A_129 [1] : vector<576x64xf32> to vector<576xf32>
    %broadcast_in_dim3A_131 = vector.shape_cast %reduce_sum3A_130 : vector<576xf32> to vector<576x1xf32>
    %sqrt3A_132 = math.sqrt %broadcast_in_dim3A_131 : vector<576x1xf32>
    %broadcast_in_dim3A_133 = vector.shape_cast %sqrt3A : vector<1024xf32> to vector<1x1024xf32>
    %mul3A_134 = vector.broadcast %sqrt3A_132 : vector<576x1xf32> to vector<576x1024xf32>
    %mul3A_135 = vector.broadcast %broadcast_in_dim3A_133 : vector<1x1024xf32> to vector<576x1024xf32>
    %mul3A_136 = arith.mulf %mul3A_134, %mul3A_135 : vector<576x1024xf32>
    %max3A_137 = arith.constant 9.99999993E-9 : f32
    %max3A_138 = vector.broadcast %max3A_137 : f32 to vector<576x1024xf32>
    %max3A_139 = arith.maximumf %mul3A_136, %max3A_138 : vector<576x1024xf32>
    %div3A_140 = arith.divf %dot_general3A_127, %max3A_139 : vector<576x1024xf32>
    %sub3A_141 = arith.constant 1.000000e+00 : f32
    %sub3A_142 = vector.broadcast %sub3A_141 : f32 to vector<576x1024xf32>
    %sub3A_143 = arith.subf %sub3A_142, %div3A_140 : vector<576x1024xf32>
    %reduce_min3A_144 = arith.constant dense<0x7F800000> : vector<576xf32>
    %reduce_min3A_145 = vector.multi_reduction <minimumf>, %sub3A_143, %reduce_min3A_144 [1] : vector<576x1024xf32> to vector<576xf32>
    %broadcast_in_dim3A_146 = vector.shape_cast %reduce_min3A_145 : vector<576xf32> to vector<576x1xf32>
    %eq3A_147 = vector.broadcast %broadcast_in_dim3A_146 : vector<576x1xf32> to vector<576x1024xf32>
    %eq3A_148 = arith.cmpf oeq, %sub3A_143, %eq3A_147 : vector<576x1024xf32>
    %jit3A_149 = arith.constant 0x7F800000 : f32
    %broadcast_in_dim3A_150 = vector.broadcast %jit3A_149 : f32 to vector<576x1024xf32>
    %select_n3A_151 = arith.select %eq3A_148, %add3A_4, %broadcast_in_dim3A_150 : vector<576x1024xi1>, vector<576x1024xf32>
    %reduce_min3A_152 = arith.constant dense<0x7F800000> : vector<576xf32>
    %reduce_min3A_153 = vector.multi_reduction <minimumf>, %select_n3A_151, %reduce_min3A_152 [1] : vector<576x1024xf32> to vector<576xf32>
    %sub3A_154 = arith.constant 0x4B000000 : f32
    %sub3A_155 = vector.broadcast %sub3A_154 : f32 to vector<576xf32>
    %sub3A_156 = arith.subf %reduce_min3A_153, %sub3A_155 : vector<576xf32>
    %convert_element_type3A_157 = arith.fptosi %sub3A_156 : vector<576xf32> to vector<576xi32>
    %swap3A_158 = arith.constant 1152 : index
    %swap3A_159 = vector.load %arg2[%swap3A_158] : memref<4608xi32, #tpu.memory_space<vmem>>, vector<576xi32>
    tpu.vector_store %arg2[%swap3A_158], %convert_element_type3A_157 {strides = array<i32>} : memref<4608xi32, #tpu.memory_space<vmem>>, vector<576xi32>,
    %broadcast_in_dim3A_160 = vector.shape_cast %reduce_sum3A_2 : vector<1024xf32> to vector<1x1024xf32>
    %jit3A_161 = arith.constant 0xFF800000 : f32
    %broadcast_in_dim3A_162 = vector.shape_cast %broadcast_in_dim3A_160 : vector<1x1024xf32> to vector<1x1024xf32>
    %broadcast_in_dim3A_163 = vector.broadcast %broadcast_in_dim3A_162 : vector<1x1024xf32> to vector<576x1024xf32>
    %broadcast_in_dim3A_164 = vector.broadcast %jit3A_161 : f32 to vector<576x1024xf32>
    %select_n3A_165 = arith.select %eq3A_148, %broadcast_in_dim3A_163, %broadcast_in_dim3A_164 : vector<576x1024xi1>, vector<576x1024xf32>
    %reduce_max3A_166 = arith.constant dense<0xFF800000> : vector<576xf32>
    %reduce_max3A_167 = vector.multi_reduction <maximumf>, %select_n3A_165, %reduce_max3A_166 [1] : vector<576x1024xf32> to vector<576xf32>
    %broadcast_in_dim3A_168 = vector.shape_cast %reduce_max3A_167 : vector<576xf32> to vector<576x1xf32>
    %sub3A_169 = arith.constant 1.000000e+00 : f32
    %sub3A_170 = vector.broadcast %sub3A_169 : f32 to vector<576x1xf32>
    %sub3A_171 = arith.subf %sub3A_170, %broadcast_in_dim3A_146 : vector<576x1xf32>
    %mul3A_172 = arith.mulf %sub3A_171, %sqrt3A_132 : vector<576x1xf32>
    %sqrt3A_173 = math.sqrt %broadcast_in_dim3A_168 : vector<576x1xf32>
    %mul3A_174 = arith.mulf %mul3A_172, %sqrt3A_173 : vector<576x1xf32>
    %mul3A_175 = arith.constant 2.000000e+00 : f32
    %mul3A_176 = vector.broadcast %mul3A_175 : f32 to vector<576x1xf32>
    %mul3A_177 = arith.mulf %mul3A_176, %mul3A_174 : vector<576x1xf32>
    %sub3A_178 = arith.subf %broadcast_in_dim3A_131, %mul3A_177 : vector<576x1xf32>
    %add3A_179 = arith.addf %sub3A_178, %broadcast_in_dim3A_168 : vector<576x1xf32>
    %reduce_sum3A_180 = vector.shape_cast %add3A_179 : vector<576x1xf32> to vector<1x576x1xf32>
    %reduce_sum3A_181 = arith.constant dense<0.000000e+00> : vector<1xf32>
    %reduce_sum3A_182 = vector.multi_reduction <add>, %reduce_sum3A_180, %reduce_sum3A_181 [1, 2] : vector<1x576x1xf32> to vector<1xf32>
    %reduce_sum3A_183 = vector.shape_cast %reduce_sum3A_182 : vector<1xf32> to vector<1x1x1xf32>
    %reduce_sum3A_184 = vector.extract %reduce_sum3A_183[0, 0, 0] : f32 from vector<1x1x1xf32>
    %reshape3A_185 = vector.broadcast %reduce_sum3A_184 : f32 to vector<1x1xf32>
    %add3A_186 = arith.addf %add3A_122, %reshape3A_185 : vector<1x1xf32>
    %get3A_187 = arith.constant 1728 : index
    %get3A_188 = arith.constant 0 : index
    %get3A_189 = vector.load %arg0[%get3A_187, %get3A_188] : memref<4608x64xf32, #tpu.memory_space<vmem>>, vector<576x64xf32>
    %dot_general3A_190 = arith.constant dense<0.000000e+00> : vector<576x1024xf32>
    %dot_general3A_191 = tpu.matmul %get3A_189, %get3A_1, %dot_general3A_190 {dimension_numbers = #tpu.dot_dimension_numbers<[1], [1], [0], [0], [0, 0, 1, 0], [], []>, transpose_lhs_hint = false} : vector<576x64xf32>, vector<1024x64xf32>, vector<576x1024xf32> -> vector<576x1024xf32>
    %mul3A_192 = arith.mulf %get3A_189, %get3A_189 : vector<576x64xf32>
    %reduce_sum3A_193 = arith.constant dense<0.000000e+00> : vector<576xf32>
    %reduce_sum3A_194 = vector.multi_reduction <add>, %mul3A_192, %reduce_sum3A_193 [1] : vector<576x64xf32> to vector<576xf32>
    %broadcast_in_dim3A_195 = vector.shape_cast %reduce_sum3A_194 : vector<576xf32> to vector<576x1xf32>
    %sqrt3A_196 = math.sqrt %broadcast_in_dim3A_195 : vector<576x1xf32>
    %broadcast_in_dim3A_197 = vector.shape_cast %sqrt3A : vector<1024xf32> to vector<1x1024xf32>
    %mul3A_198 = vector.broadcast %sqrt3A_196 : vector<576x1xf32> to vector<576x1024xf32>
    %mul3A_199 = vector.broadcast %broadcast_in_dim3A_197 : vector<1x1024xf32> to vector<576x1024xf32>
    %mul3A_200 = arith.mulf %mul3A_198, %mul3A_199 : vector<576x1024xf32>
    %max3A_201 = arith.constant 9.99999993E-9 : f32
    %max3A_202 = vector.broadcast %max3A_201 : f32 to vector<576x1024xf32>
    %max3A_203 = arith.maximumf %mul3A_200, %max3A_202 : vector<576x1024xf32>
    %div3A_204 = arith.divf %dot_general3A_191, %max3A_203 : vector<576x1024xf32>
    %sub3A_205 = arith.constant 1.000000e+00 : f32
    %sub3A_206 = vector.broadcast %sub3A_205 : f32 to vector<576x1024xf32>
    %sub3A_207 = arith.subf %sub3A_206, %div3A_204 : vector<576x1024xf32>
    %reduce_min3A_208 = arith.constant dense<0x7F800000> : vector<576xf32>
    %reduce_min3A_209 = vector.multi_reduction <minimumf>, %sub3A_207, %reduce_min3A_208 [1] : vector<576x1024xf32> to vector<576xf32>
    %broadcast_in_dim3A_210 = vector.shape_cast %reduce_min3A_209 : vector<576xf32> to vector<576x1xf32>
    %eq3A_211 = vector.broadcast %broadcast_in_dim3A_210 : vector<576x1xf32> to vector<576x1024xf32>
    %eq3A_212 = arith.cmpf oeq, %sub3A_207, %eq3A_211 : vector<576x1024xf32>
    %jit3A_213 = arith.constant 0x7F800000 : f32
    %broadcast_in_dim3A_214 = vector.broadcast %jit3A_213 : f32 to vector<576x1024xf32>
    %select_n3A_215 = arith.select %eq3A_212, %add3A_4, %broadcast_in_dim3A_214 : vector<576x1024xi1>, vector<576x1024xf32>
    %reduce_min3A_216 = arith.constant dense<0x7F800000> : vector<576xf32>
    %reduce_min3A_217 = vector.multi_reduction <minimumf>, %select_n3A_215, %reduce_min3A_216 [1] : vector<576x1024xf32> to vector<576xf32>
    %sub3A_218 = arith.constant 0x4B000000 : f32
    %sub3A_219 = vector.broadcast %sub3A_218 : f32 to vector<576xf32>
    %sub3A_220 = arith.subf %reduce_min3A_217, %sub3A_219 : vector<576xf32>
    %convert_element_type3A_221 = arith.fptosi %sub3A_220 : vector<576xf32> to vector<576xi32>
    %swap3A_222 = arith.constant 1728 : index
    %swap3A_223 = vector.load %arg2[%swap3A_222] : memref<4608xi32, #tpu.memory_space<vmem>>, vector<576xi32>
    tpu.vector_store %arg2[%swap3A_222], %convert_element_type3A_221 {strides = array<i32>} : memref<4608xi32, #tpu.memory_space<vmem>>, vector<576xi32>,
    %broadcast_in_dim3A_224 = vector.shape_cast %reduce_sum3A_2 : vector<1024xf32> to vector<1x1024xf32>
    %jit3A_225 = arith.constant 0xFF800000 : f32
    %broadcast_in_dim3A_226 = vector.shape_cast %broadcast_in_dim3A_224 : vector<1x1024xf32> to vector<1x1024xf32>
    %broadcast_in_dim3A_227 = vector.broadcast %broadcast_in_dim3A_226 : vector<1x1024xf32> to vector<576x1024xf32>
    %broadcast_in_dim3A_228 = vector.broadcast %jit3A_225 : f32 to vector<576x1024xf32>
    %select_n3A_229 = arith.select %eq3A_212, %broadcast_in_dim3A_227, %broadcast_in_dim3A_228 : vector<576x1024xi1>, vector<576x1024xf32>
    %reduce_max3A_230 = arith.constant dense<0xFF800000> : vector<576xf32>
    %reduce_max3A_231 = vector.multi_reduction <maximumf>, %select_n3A_229, %reduce_max3A_230 [1] : vector<576x1024xf32> to vector<576xf32>
    %broadcast_in_dim3A_232 = vector.shape_cast %reduce_max3A_231 : vector<576xf32> to vector<576x1xf32>
    %sub3A_233 = arith.constant 1.000000e+00 : f32
    %sub3A_234 = vector.broadcast %sub3A_233 : f32 to vector<576x1xf32>
    %sub3A_235 = arith.subf %sub3A_234, %broadcast_in_dim3A_210 : vector<576x1xf32>
    %mul3A_236 = arith.mulf %sub3A_235, %sqrt3A_196 : vector<576x1xf32>
    %sqrt3A_237 = math.sqrt %broadcast_in_dim3A_232 : vector<576x1xf32>
    %mul3A_238 = arith.mulf %mul3A_236, %sqrt3A_237 : vector<576x1xf32>
    %mul3A_239 = arith.constant 2.000000e+00 : f32
    %mul3A_240 = vector.broadcast %mul3A_239 : f32 to vector<576x1xf32>
    %mul3A_241 = arith.mulf %mul3A_240, %mul3A_238 : vector<576x1xf32>
    %sub3A_242 = arith.subf %broadcast_in_dim3A_195, %mul3A_241 : vector<576x1xf32>
    %add3A_243 = arith.addf %sub3A_242, %broadcast_in_dim3A_232 : vector<576x1xf32>
    %reduce_sum3A_244 = vector.shape_cast %add3A_243 : vector<576x1xf32> to vector<1x576x1xf32>
    %reduce_sum3A_245 = arith.constant dense<0.000000e+00> : vector<1xf32>
    %reduce_sum3A_246 = vector.multi_reduction <add>, %reduce_sum3A_244, %reduce_sum3A_245 [1, 2] : vector<1x576x1xf32> to vector<1xf32>
    %reduce_sum3A_247 = vector.shape_cast %reduce_sum3A_246 : vector<1xf32> to vector<1x1x1xf32>
    %reduce_sum3A_248 = vector.extract %reduce_sum3A_247[0, 0, 0] : f32 from vector<1x1x1xf32>
    %reshape3A_249 = vector.broadcast %reduce_sum3A_248 : f32 to vector<1x1xf32>
    %add3A_250 = arith.addf %add3A_186, %reshape3A_249 : vector<1x1xf32>
    %get3A_251 = arith.constant 2304 : index
    %get3A_252 = arith.constant 0 : index
    %get3A_253 = vector.load %arg0[%get3A_251, %get3A_252] : memref<4608x64xf32, #tpu.memory_space<vmem>>, vector<576x64xf32>
    %dot_general3A_254 = arith.constant dense<0.000000e+00> : vector<576x1024xf32>
    %dot_general3A_255 = tpu.matmul %get3A_253, %get3A_1, %dot_general3A_254 {dimension_numbers = #tpu.dot_dimension_numbers<[1], [1], [0], [0], [0, 0, 1, 0], [], []>, transpose_lhs_hint = false} : vector<576x64xf32>, vector<1024x64xf32>, vector<576x1024xf32> -> vector<576x1024xf32>
    %mul3A_256 = arith.mulf %get3A_253, %get3A_253 : vector<576x64xf32>
    %reduce_sum3A_257 = arith.constant dense<0.000000e+00> : vector<576xf32>
    %reduce_sum3A_258 = vector.multi_reduction <add>, %mul3A_256, %reduce_sum3A_257 [1] : vector<576x64xf32> to vector<576xf32>
    %broadcast_in_dim3A_259 = vector.shape_cast %reduce_sum3A_258 : vector<576xf32> to vector<576x1xf32>
    %sqrt3A_260 = math.sqrt %broadcast_in_dim3A_259 : vector<576x1xf32>
    %broadcast_in_dim3A_261 = vector.shape_cast %sqrt3A : vector<1024xf32> to vector<1x1024xf32>
    %mul3A_262 = vector.broadcast %sqrt3A_260 : vector<576x1xf32> to vector<576x1024xf32>
    %mul3A_263 = vector.broadcast %broadcast_in_dim3A_261 : vector<1x1024xf32> to vector<576x1024xf32>
    %mul3A_264 = arith.mulf %mul3A_262, %mul3A_263 : vector<576x1024xf32>
    %max3A_265 = arith.constant 9.99999993E-9 : f32
    %max3A_266 = vector.broadcast %max3A_265 : f32 to vector<576x1024xf32>
    %max3A_267 = arith.maximumf %mul3A_264, %max3A_266 : vector<576x1024xf32>
    %div3A_268 = arith.divf %dot_general3A_255, %max3A_267 : vector<576x1024xf32>
    %sub3A_269 = arith.constant 1.000000e+00 : f32
    %sub3A_270 = vector.broadcast %sub3A_269 : f32 to vector<576x1024xf32>
    %sub3A_271 = arith.subf %sub3A_270, %div3A_268 : vector<576x1024xf32>
    %reduce_min3A_272 = arith.constant dense<0x7F800000> : vector<576xf32>
    %reduce_min3A_273 = vector.multi_reduction <minimumf>, %sub3A_271, %reduce_min3A_272 [1] : vector<576x1024xf32> to vector<576xf32>
    %broadcast_in_dim3A_274 = vector.shape_cast %reduce_min3A_273 : vector<576xf32> to vector<576x1xf32>
    %eq3A_275 = vector.broadcast %broadcast_in_dim3A_274 : vector<576x1xf32> to vector<576x1024xf32>
    %eq3A_276 = arith.cmpf oeq, %sub3A_271, %eq3A_275 : vector<576x1024xf32>
    %jit3A_277 = arith.constant 0x7F800000 : f32
    %broadcast_in_dim3A_278 = vector.broadcast %jit3A_277 : f32 to vector<576x1024xf32>
    %select_n3A_279 = arith.select %eq3A_276, %add3A_4, %broadcast_in_dim3A_278 : vector<576x1024xi1>, vector<576x1024xf32>
    %reduce_min3A_280 = arith.constant dense<0x7F800000> : vector<576xf32>
    %reduce_min3A_281 = vector.multi_reduction <minimumf>, %select_n3A_279, %reduce_min3A_280 [1] : vector<576x1024xf32> to vector<576xf32>
    %sub3A_282 = arith.constant 0x4B000000 : f32
    %sub3A_283 = vector.broadcast %sub3A_282 : f32 to vector<576xf32>
    %sub3A_284 = arith.subf %reduce_min3A_281, %sub3A_283 : vector<576xf32>
    %convert_element_type3A_285 = arith.fptosi %sub3A_284 : vector<576xf32> to vector<576xi32>
    %swap3A_286 = arith.constant 2304 : index
    %swap3A_287 = vector.load %arg2[%swap3A_286] : memref<4608xi32, #tpu.memory_space<vmem>>, vector<576xi32>
    tpu.vector_store %arg2[%swap3A_286], %convert_element_type3A_285 {strides = array<i32>} : memref<4608xi32, #tpu.memory_space<vmem>>, vector<576xi32>,
    %broadcast_in_dim3A_288 = vector.shape_cast %reduce_sum3A_2 : vector<1024xf32> to vector<1x1024xf32>
    %jit3A_289 = arith.constant 0xFF800000 : f32
    %broadcast_in_dim3A_290 = vector.shape_cast %broadcast_in_dim3A_288 : vector<1x1024xf32> to vector<1x1024xf32>
    %broadcast_in_dim3A_291 = vector.broadcast %broadcast_in_dim3A_290 : vector<1x1024xf32> to vector<576x1024xf32>
    %broadcast_in_dim3A_292 = vector.broadcast %jit3A_289 : f32 to vector<576x1024xf32>
    %select_n3A_293 = arith.select %eq3A_276, %broadcast_in_dim3A_291, %broadcast_in_dim3A_292 : vector<576x1024xi1>, vector<576x1024xf32>
    %reduce_max3A_294 = arith.constant dense<0xFF800000> : vector<576xf32>
    %reduce_max3A_295 = vector.multi_reduction <maximumf>, %select_n3A_293, %reduce_max3A_294 [1] : vector<576x1024xf32> to vector<576xf32>
    %broadcast_in_dim3A_296 = vector.shape_cast %reduce_max3A_295 : vector<576xf32> to vector<576x1xf32>
    %sub3A_297 = arith.constant 1.000000e+00 : f32
    %sub3A_298 = vector.broadcast %sub3A_297 : f32 to vector<576x1xf32>
    %sub3A_299 = arith.subf %sub3A_298, %broadcast_in_dim3A_274 : vector<576x1xf32>
    %mul3A_300 = arith.mulf %sub3A_299, %sqrt3A_260 : vector<576x1xf32>
    %sqrt3A_301 = math.sqrt %broadcast_in_dim3A_296 : vector<576x1xf32>
    %mul3A_302 = arith.mulf %mul3A_300, %sqrt3A_301 : vector<576x1xf32>
    %mul3A_303 = arith.constant 2.000000e+00 : f32
    %mul3A_304 = vector.broadcast %mul3A_303 : f32 to vector<576x1xf32>
    %mul3A_305 = arith.mulf %mul3A_304, %mul3A_302 : vector<576x1xf32>
    %sub3A_306 = arith.subf %broadcast_in_dim3A_259, %mul3A_305 : vector<576x1xf32>
    %add3A_307 = arith.addf %sub3A_306, %broadcast_in_dim3A_296 : vector<576x1xf32>
    %reduce_sum3A_308 = vector.shape_cast %add3A_307 : vector<576x1xf32> to vector<1x576x1xf32>
    %reduce_sum3A_309 = arith.constant dense<0.000000e+00> : vector<1xf32>
    %reduce_sum3A_310 = vector.multi_reduction <add>, %reduce_sum3A_308, %reduce_sum3A_309 [1, 2] : vector<1x576x1xf32> to vector<1xf32>
    %reduce_sum3A_311 = vector.shape_cast %reduce_sum3A_310 : vector<1xf32> to vector<1x1x1xf32>
    %reduce_sum3A_312 = vector.extract %reduce_sum3A_311[0, 0, 0] : f32 from vector<1x1x1xf32>
    %reshape3A_313 = vector.broadcast %reduce_sum3A_312 : f32 to vector<1x1xf32>
    %add3A_314 = arith.addf %add3A_250, %reshape3A_313 : vector<1x1xf32>
    %get3A_315 = arith.constant 2880 : index
    %get3A_316 = arith.constant 0 : index
    %get3A_317 = vector.load %arg0[%get3A_315, %get3A_316] : memref<4608x64xf32, #tpu.memory_space<vmem>>, vector<576x64xf32>
    %dot_general3A_318 = arith.constant dense<0.000000e+00> : vector<576x1024xf32>
    %dot_general3A_319 = tpu.matmul %get3A_317, %get3A_1, %dot_general3A_318 {dimension_numbers = #tpu.dot_dimension_numbers<[1], [1], [0], [0], [0, 0, 1, 0], [], []>, transpose_lhs_hint = false} : vector<576x64xf32>, vector<1024x64xf32>, vector<576x1024xf32> -> vector<576x1024xf32>
    %mul3A_320 = arith.mulf %get3A_317, %get3A_317 : vector<576x64xf32>
    %reduce_sum3A_321 = arith.constant dense<0.000000e+00> : vector<576xf32>
    %reduce_sum3A_322 = vector.multi_reduction <add>, %mul3A_320, %reduce_sum3A_321 [1] : vector<576x64xf32> to vector<576xf32>
    %broadcast_in_dim3A_323 = vector.shape_cast %reduce_sum3A_322 : vector<576xf32> to vector<576x1xf32>
    %sqrt3A_324 = math.sqrt %broadcast_in_dim3A_323 : vector<576x1xf32>
    %broadcast_in_dim3A_325 = vector.shape_cast %sqrt3A : vector<1024xf32> to vector<1x1024xf32>
    %mul3A_326 = vector.broadcast %sqrt3A_324 : vector<576x1xf32> to vector<576x1024xf32>
    %mul3A_327 = vector.broadcast %broadcast_in_dim3A_325 : vector<1x1024xf32> to vector<576x1024xf32>
    %mul3A_328 = arith.mulf %mul3A_326, %mul3A_327 : vector<576x1024xf32>
    %max3A_329 = arith.constant 9.99999993E-9 : f32
    %max3A_330 = vector.broadcast %max3A_329 : f32 to vector<576x1024xf32>
    %max3A_331 = arith.maximumf %mul3A_328, %max3A_330 : vector<576x1024xf32>
    %div3A_332 = arith.divf %dot_general3A_319, %max3A_331 : vector<576x1024xf32>
    %sub3A_333 = arith.constant 1.000000e+00 : f32
    %sub3A_334 = vector.broadcast %sub3A_333 : f32 to vector<576x1024xf32>
    %sub3A_335 = arith.subf %sub3A_334, %div3A_332 : vector<576x1024xf32>
    %reduce_min3A_336 = arith.constant dense<0x7F800000> : vector<576xf32>
    %reduce_min3A_337 = vector.multi_reduction <minimumf>, %sub3A_335, %reduce_min3A_336 [1] : vector<576x1024xf32> to vector<576xf32>
    %broadcast_in_dim3A_338 = vector.shape_cast %reduce_min3A_337 : vector<576xf32> to vector<576x1xf32>
    %eq3A_339 = vector.broadcast %broadcast_in_dim3A_338 : vector<576x1xf32> to vector<576x1024xf32>
    %eq3A_340 = arith.cmpf oeq, %sub3A_335, %eq3A_339 : vector<576x1024xf32>
    %jit3A_341 = arith.constant 0x7F800000 : f32
    %broadcast_in_dim3A_342 = vector.broadcast %jit3A_341 : f32 to vector<576x1024xf32>
    %select_n3A_343 = arith.select %eq3A_340, %add3A_4, %broadcast_in_dim3A_342 : vector<576x1024xi1>, vector<576x1024xf32>
    %reduce_min3A_344 = arith.constant dense<0x7F800000> : vector<576xf32>
    %reduce_min3A_345 = vector.multi_reduction <minimumf>, %select_n3A_343, %reduce_min3A_344 [1] : vector<576x1024xf32> to vector<576xf32>
    %sub3A_346 = arith.constant 0x4B000000 : f32
    %sub3A_347 = vector.broadcast %sub3A_346 : f32 to vector<576xf32>
    %sub3A_348 = arith.subf %reduce_min3A_345, %sub3A_347 : vector<576xf32>
    %convert_element_type3A_349 = arith.fptosi %sub3A_348 : vector<576xf32> to vector<576xi32>
    %swap3A_350 = arith.constant 2880 : index
    %swap3A_351 = vector.load %arg2[%swap3A_350] : memref<4608xi32, #tpu.memory_space<vmem>>, vector<576xi32>
    tpu.vector_store %arg2[%swap3A_350], %convert_element_type3A_349 {strides = array<i32>} : memref<4608xi32, #tpu.memory_space<vmem>>, vector<576xi32>,
    %broadcast_in_dim3A_352 = vector.shape_cast %reduce_sum3A_2 : vector<1024xf32> to vector<1x1024xf32>
    %jit3A_353 = arith.constant 0xFF800000 : f32
    %broadcast_in_dim3A_354 = vector.shape_cast %broadcast_in_dim3A_352 : vector<1x1024xf32> to vector<1x1024xf32>
    %broadcast_in_dim3A_355 = vector.broadcast %broadcast_in_dim3A_354 : vector<1x1024xf32> to vector<576x1024xf32>
    %broadcast_in_dim3A_356 = vector.broadcast %jit3A_353 : f32 to vector<576x1024xf32>
    %select_n3A_357 = arith.select %eq3A_340, %broadcast_in_dim3A_355, %broadcast_in_dim3A_356 : vector<576x1024xi1>, vector<576x1024xf32>
    %reduce_max3A_358 = arith.constant dense<0xFF800000> : vector<576xf32>
    %reduce_max3A_359 = vector.multi_reduction <maximumf>, %select_n3A_357, %reduce_max3A_358 [1] : vector<576x1024xf32> to vector<576xf32>
    %broadcast_in_dim3A_360 = vector.shape_cast %reduce_max3A_359 : vector<576xf32> to vector<576x1xf32>
    %sub3A_361 = arith.constant 1.000000e+00 : f32
    %sub3A_362 = vector.broadcast %sub3A_361 : f32 to vector<576x1xf32>
    %sub3A_363 = arith.subf %sub3A_362, %broadcast_in_dim3A_338 : vector<576x1xf32>
    %mul3A_364 = arith.mulf %sub3A_363, %sqrt3A_324 : vector<576x1xf32>
    %sqrt3A_365 = math.sqrt %broadcast_in_dim3A_360 : vector<576x1xf32>
    %mul3A_366 = arith.mulf %mul3A_364, %sqrt3A_365 : vector<576x1xf32>
    %mul3A_367 = arith.constant 2.000000e+00 : f32
    %mul3A_368 = vector.broadcast %mul3A_367 : f32 to vector<576x1xf32>
    %mul3A_369 = arith.mulf %mul3A_368, %mul3A_366 : vector<576x1xf32>
    %sub3A_370 = arith.subf %broadcast_in_dim3A_323, %mul3A_369 : vector<576x1xf32>
    %add3A_371 = arith.addf %sub3A_370, %broadcast_in_dim3A_360 : vector<576x1xf32>
    %reduce_sum3A_372 = vector.shape_cast %add3A_371 : vector<576x1xf32> to vector<1x576x1xf32>
    %reduce_sum3A_373 = arith.constant dense<0.000000e+00> : vector<1xf32>
    %reduce_sum3A_374 = vector.multi_reduction <add>, %reduce_sum3A_372, %reduce_sum3A_373 [1, 2] : vector<1x576x1xf32> to vector<1xf32>
    %reduce_sum3A_375 = vector.shape_cast %reduce_sum3A_374 : vector<1xf32> to vector<1x1x1xf32>
    %reduce_sum3A_376 = vector.extract %reduce_sum3A_375[0, 0, 0] : f32 from vector<1x1x1xf32>
    %reshape3A_377 = vector.broadcast %reduce_sum3A_376 : f32 to vector<1x1xf32>
    %add3A_378 = arith.addf %add3A_314, %reshape3A_377 : vector<1x1xf32>
    %get3A_379 = arith.constant 3456 : index
    %get3A_380 = arith.constant 0 : index
    %get3A_381 = vector.load %arg0[%get3A_379, %get3A_380] : memref<4608x64xf32, #tpu.memory_space<vmem>>, vector<576x64xf32>
    %dot_general3A_382 = arith.constant dense<0.000000e+00> : vector<576x1024xf32>
    %dot_general3A_383 = tpu.matmul %get3A_381, %get3A_1, %dot_general3A_382 {dimension_numbers = #tpu.dot_dimension_numbers<[1], [1], [0], [0], [0, 0, 1, 0], [], []>, transpose_lhs_hint = false} : vector<576x64xf32>, vector<1024x64xf32>, vector<576x1024xf32> -> vector<576x1024xf32>
    %mul3A_384 = arith.mulf %get3A_381, %get3A_381 : vector<576x64xf32>
    %reduce_sum3A_385 = arith.constant dense<0.000000e+00> : vector<576xf32>
    %reduce_sum3A_386 = vector.multi_reduction <add>, %mul3A_384, %reduce_sum3A_385 [1] : vector<576x64xf32> to vector<576xf32>
    %broadcast_in_dim3A_387 = vector.shape_cast %reduce_sum3A_386 : vector<576xf32> to vector<576x1xf32>
    %sqrt3A_388 = math.sqrt %broadcast_in_dim3A_387 : vector<576x1xf32>
    %broadcast_in_dim3A_389 = vector.shape_cast %sqrt3A : vector<1024xf32> to vector<1x1024xf32>
    %mul3A_390 = vector.broadcast %sqrt3A_388 : vector<576x1xf32> to vector<576x1024xf32>
    %mul3A_391 = vector.broadcast %broadcast_in_dim3A_389 : vector<1x1024xf32> to vector<576x1024xf32>
    %mul3A_392 = arith.mulf %mul3A_390, %mul3A_391 : vector<576x1024xf32>
    %max3A_393 = arith.constant 9.99999993E-9 : f32
    %max3A_394 = vector.broadcast %max3A_393 : f32 to vector<576x1024xf32>
    %max3A_395 = arith.maximumf %mul3A_392, %max3A_394 : vector<576x1024xf32>
    %div3A_396 = arith.divf %dot_general3A_383, %max3A_395 : vector<576x1024xf32>
    %sub3A_397 = arith.constant 1.000000e+00 : f32
    %sub3A_398 = vector.broadcast %sub3A_397 : f32 to vector<576x1024xf32>
    %sub3A_399 = arith.subf %sub3A_398, %div3A_396 : vector<576x1024xf32>
    %reduce_min3A_400 = arith.constant dense<0x7F800000> : vector<576xf32>
    %reduce_min3A_401 = vector.multi_reduction <minimumf>, %sub3A_399, %reduce_min3A_400 [1] : vector<576x1024xf32> to vector<576xf32>
    %broadcast_in_dim3A_402 = vector.shape_cast %reduce_min3A_401 : vector<576xf32> to vector<576x1xf32>
    %eq3A_403 = vector.broadcast %broadcast_in_dim3A_402 : vector<576x1xf32> to vector<576x1024xf32>
    %eq3A_404 = arith.cmpf oeq, %sub3A_399, %eq3A_403 : vector<576x1024xf32>
    %jit3A_405 = arith.constant 0x7F800000 : f32
    %broadcast_in_dim3A_406 = vector.broadcast %jit3A_405 : f32 to vector<576x1024xf32>
    %select_n3A_407 = arith.select %eq3A_404, %add3A_4, %broadcast_in_dim3A_406 : vector<576x1024xi1>, vector<576x1024xf32>
    %reduce_min3A_408 = arith.constant dense<0x7F800000> : vector<576xf32>
    %reduce_min3A_409 = vector.multi_reduction <minimumf>, %select_n3A_407, %reduce_min3A_408 [1] : vector<576x1024xf32> to vector<576xf32>
    %sub3A_410 = arith.constant 0x4B000000 : f32
    %sub3A_411 = vector.broadcast %sub3A_410 : f32 to vector<576xf32>
    %sub3A_412 = arith.subf %reduce_min3A_409, %sub3A_411 : vector<576xf32>
    %convert_element_type3A_413 = arith.fptosi %sub3A_412 : vector<576xf32> to vector<576xi32>
    %swap3A_414 = arith.constant 3456 : index
    %swap3A_415 = vector.load %arg2[%swap3A_414] : memref<4608xi32, #tpu.memory_space<vmem>>, vector<576xi32>
    tpu.vector_store %arg2[%swap3A_414], %convert_element_type3A_413 {strides = array<i32>} : memref<4608xi32, #tpu.memory_space<vmem>>, vector<576xi32>,
    %broadcast_in_dim3A_416 = vector.shape_cast %reduce_sum3A_2 : vector<1024xf32> to vector<1x1024xf32>
    %jit3A_417 = arith.constant 0xFF800000 : f32
    %broadcast_in_dim3A_418 = vector.shape_cast %broadcast_in_dim3A_416 : vector<1x1024xf32> to vector<1x1024xf32>
    %broadcast_in_dim3A_419 = vector.broadcast %broadcast_in_dim3A_418 : vector<1x1024xf32> to vector<576x1024xf32>
    %broadcast_in_dim3A_420 = vector.broadcast %jit3A_417 : f32 to vector<576x1024xf32>
    %select_n3A_421 = arith.select %eq3A_404, %broadcast_in_dim3A_419, %broadcast_in_dim3A_420 : vector<576x1024xi1>, vector<576x1024xf32>
    %reduce_max3A_422 = arith.constant dense<0xFF800000> : vector<576xf32>
    %reduce_max3A_423 = vector.multi_reduction <maximumf>, %select_n3A_421, %reduce_max3A_422 [1] : vector<576x1024xf32> to vector<576xf32>
    %broadcast_in_dim3A_424 = vector.shape_cast %reduce_max3A_423 : vector<576xf32> to vector<576x1xf32>
    %sub3A_425 = arith.constant 1.000000e+00 : f32
    %sub3A_426 = vector.broadcast %sub3A_425 : f32 to vector<576x1xf32>
    %sub3A_427 = arith.subf %sub3A_426, %broadcast_in_dim3A_402 : vector<576x1xf32>
    %mul3A_428 = arith.mulf %sub3A_427, %sqrt3A_388 : vector<576x1xf32>
    %sqrt3A_429 = math.sqrt %broadcast_in_dim3A_424 : vector<576x1xf32>
    %mul3A_430 = arith.mulf %mul3A_428, %sqrt3A_429 : vector<576x1xf32>
    %mul3A_431 = arith.constant 2.000000e+00 : f32
    %mul3A_432 = vector.broadcast %mul3A_431 : f32 to vector<576x1xf32>
    %mul3A_433 = arith.mulf %mul3A_432, %mul3A_430 : vector<576x1xf32>
    %sub3A_434 = arith.subf %broadcast_in_dim3A_387, %mul3A_433 : vector<576x1xf32>
    %add3A_435 = arith.addf %sub3A_434, %broadcast_in_dim3A_424 : vector<576x1xf32>
    %reduce_sum3A_436 = vector.shape_cast %add3A_435 : vector<576x1xf32> to vector<1x576x1xf32>
    %reduce_sum3A_437 = arith.constant dense<0.000000e+00> : vector<1xf32>
    %reduce_sum3A_438 = vector.multi_reduction <add>, %reduce_sum3A_436, %reduce_sum3A_437 [1, 2] : vector<1x576x1xf32> to vector<1xf32>
    %reduce_sum3A_439 = vector.shape_cast %reduce_sum3A_438 : vector<1xf32> to vector<1x1x1xf32>
    %reduce_sum3A_440 = vector.extract %reduce_sum3A_439[0, 0, 0] : f32 from vector<1x1x1xf32>
    %reshape3A_441 = vector.broadcast %reduce_sum3A_440 : f32 to vector<1x1xf32>
    %add3A_442 = arith.addf %add3A_378, %reshape3A_441 : vector<1x1xf32>
    %get3A_443 = arith.constant 4032 : index
    %get3A_444 = arith.constant 0 : index
    %get3A_445 = vector.load %arg0[%get3A_443, %get3A_444] : memref<4608x64xf32, #tpu.memory_space<vmem>>, vector<576x64xf32>
    %dot_general3A_446 = arith.constant dense<0.000000e+00> : vector<576x1024xf32>
    %dot_general3A_447 = tpu.matmul %get3A_445, %get3A_1, %dot_general3A_446 {dimension_numbers = #tpu.dot_dimension_numbers<[1], [1], [0], [0], [0, 0, 1, 0], [], []>, transpose_lhs_hint = false} : vector<576x64xf32>, vector<1024x64xf32>, vector<576x1024xf32> -> vector<576x1024xf32>
    %mul3A_448 = arith.mulf %get3A_445, %get3A_445 : vector<576x64xf32>
    %reduce_sum3A_449 = arith.constant dense<0.000000e+00> : vector<576xf32>
    %reduce_sum3A_450 = vector.multi_reduction <add>, %mul3A_448, %reduce_sum3A_449 [1] : vector<576x64xf32> to vector<576xf32>
    %broadcast_in_dim3A_451 = vector.shape_cast %reduce_sum3A_450 : vector<576xf32> to vector<576x1xf32>
    %sqrt3A_452 = math.sqrt %broadcast_in_dim3A_451 : vector<576x1xf32>
    %broadcast_in_dim3A_453 = vector.shape_cast %sqrt3A : vector<1024xf32> to vector<1x1024xf32>
    %mul3A_454 = vector.broadcast %sqrt3A_452 : vector<576x1xf32> to vector<576x1024xf32>
    %mul3A_455 = vector.broadcast %broadcast_in_dim3A_453 : vector<1x1024xf32> to vector<576x1024xf32>
    %mul3A_456 = arith.mulf %mul3A_454, %mul3A_455 : vector<576x1024xf32>
    %max3A_457 = arith.constant 9.99999993E-9 : f32
    %max3A_458 = vector.broadcast %max3A_457 : f32 to vector<576x1024xf32>
    %max3A_459 = arith.maximumf %mul3A_456, %max3A_458 : vector<576x1024xf32>
    %div3A_460 = arith.divf %dot_general3A_447, %max3A_459 : vector<576x1024xf32>
    %sub3A_461 = arith.constant 1.000000e+00 : f32
    %sub3A_462 = vector.broadcast %sub3A_461 : f32 to vector<576x1024xf32>
    %sub3A_463 = arith.subf %sub3A_462, %div3A_460 : vector<576x1024xf32>
    %reduce_min3A_464 = arith.constant dense<0x7F800000> : vector<576xf32>
    %reduce_min3A_465 = vector.multi_reduction <minimumf>, %sub3A_463, %reduce_min3A_464 [1] : vector<576x1024xf32> to vector<576xf32>
    %broadcast_in_dim3A_466 = vector.shape_cast %reduce_min3A_465 : vector<576xf32> to vector<576x1xf32>
    %eq3A_467 = vector.broadcast %broadcast_in_dim3A_466 : vector<576x1xf32> to vector<576x1024xf32>
    %eq3A_468 = arith.cmpf oeq, %sub3A_463, %eq3A_467 : vector<576x1024xf32>
    %jit3A_469 = arith.constant 0x7F800000 : f32
    %broadcast_in_dim3A_470 = vector.broadcast %jit3A_469 : f32 to vector<576x1024xf32>
    %select_n3A_471 = arith.select %eq3A_468, %add3A_4, %broadcast_in_dim3A_470 : vector<576x1024xi1>, vector<576x1024xf32>
    %reduce_min3A_472 = arith.constant dense<0x7F800000> : vector<576xf32>
    %reduce_min3A_473 = vector.multi_reduction <minimumf>, %select_n3A_471, %reduce_min3A_472 [1] : vector<576x1024xf32> to vector<576xf32>
    %sub3A_474 = arith.constant 0x4B000000 : f32
    %sub3A_475 = vector.broadcast %sub3A_474 : f32 to vector<576xf32>
    %sub3A_476 = arith.subf %reduce_min3A_473, %sub3A_475 : vector<576xf32>
    %convert_element_type3A_477 = arith.fptosi %sub3A_476 : vector<576xf32> to vector<576xi32>
    %swap3A_478 = arith.constant 4032 : index
    %swap3A_479 = vector.load %arg2[%swap3A_478] : memref<4608xi32, #tpu.memory_space<vmem>>, vector<576xi32>
    tpu.vector_store %arg2[%swap3A_478], %convert_element_type3A_477 {strides = array<i32>} : memref<4608xi32, #tpu.memory_space<vmem>>, vector<576xi32>,
    %broadcast_in_dim3A_480 = vector.shape_cast %reduce_sum3A_2 : vector<1024xf32> to vector<1x1024xf32>
    %jit3A_481 = arith.constant 0xFF800000 : f32
    %broadcast_in_dim3A_482 = vector.shape_cast %broadcast_in_dim3A_480 : vector<1x1024xf32> to vector<1x1024xf32>
    %broadcast_in_dim3A_483 = vector.broadcast %broadcast_in_dim3A_482 : vector<1x1024xf32> to vector<576x1024xf32>
    %broadcast_in_dim3A_484 = vector.broadcast %jit3A_481 : f32 to vector<576x1024xf32>
    %select_n3A_485 = arith.select %eq3A_468, %broadcast_in_dim3A_483, %broadcast_in_dim3A_484 : vector<576x1024xi1>, vector<576x1024xf32>
    %reduce_max3A_486 = arith.constant dense<0xFF800000> : vector<576xf32>
    %reduce_max3A_487 = vector.multi_reduction <maximumf>, %select_n3A_485, %reduce_max3A_486 [1] : vector<576x1024xf32> to vector<576xf32>
    %broadcast_in_dim3A_488 = vector.shape_cast %reduce_max3A_487 : vector<576xf32> to vector<576x1xf32>
    %sub3A_489 = arith.constant 1.000000e+00 : f32
    %sub3A_490 = vector.broadcast %sub3A_489 : f32 to vector<576x1xf32>
    %sub3A_491 = arith.subf %sub3A_490, %broadcast_in_dim3A_466 : vector<576x1xf32>
    %mul3A_492 = arith.mulf %sub3A_491, %sqrt3A_452 : vector<576x1xf32>
    %sqrt3A_493 = math.sqrt %broadcast_in_dim3A_488 : vector<576x1xf32>
    %mul3A_494 = arith.mulf %mul3A_492, %sqrt3A_493 : vector<576x1xf32>
    %mul3A_495 = arith.constant 2.000000e+00 : f32
    %mul3A_496 = vector.broadcast %mul3A_495 : f32 to vector<576x1xf32>
    %mul3A_497 = arith.mulf %mul3A_496, %mul3A_494 : vector<576x1xf32>
    %sub3A_498 = arith.subf %broadcast_in_dim3A_451, %mul3A_497 : vector<576x1xf32>
    %add3A_499 = arith.addf %sub3A_498, %broadcast_in_dim3A_488 : vector<576x1xf32>
    %reduce_sum3A_500 = vector.shape_cast %add3A_499 : vector<576x1xf32> to vector<1x576x1xf32>
    %reduce_sum3A_501 = arith.constant dense<0.000000e+00> : vector<1xf32>
    %reduce_sum3A_502 = vector.multi_reduction <add>, %reduce_sum3A_500, %reduce_sum3A_501 [1, 2] : vector<1x576x1xf32> to vector<1xf32>
    %reduce_sum3A_503 = vector.shape_cast %reduce_sum3A_502 : vector<1xf32> to vector<1x1x1xf32>
    %reduce_sum3A_504 = vector.extract %reduce_sum3A_503[0, 0, 0] : f32 from vector<1x1x1xf32>
    %reshape3A_505 = vector.broadcast %reduce_sum3A_504 : f32 to vector<1x1xf32>
    %add3A_506 = arith.addf %add3A_442, %reshape3A_505 : vector<1x1xf32>
    %mul3A_507 = arith.constant 1.69542102E-6 : f32
    %mul3A_508 = vector.broadcast %mul3A_507 : f32 to vector<1x1xf32>
    %mul3A_509 = arith.mulf %add3A_506, %mul3A_508 : vector<1x1xf32>
    %swap3A_510 = arith.constant 0 : index
    %swap3A_511 = arith.constant 0 : index
    %swap3A_512 = vector.load %arg3[%swap3A_510, %swap3A_511] : memref<1x1xf32, #tpu.memory_space<vmem>>, vector<1x1xf32>
    tpu.vector_store %arg3[%swap3A_510, %swap3A_511], %mul3A_509 {strides = array<i32>} : memref<1x1xf32, #tpu.memory_space<vmem>>, vector<1x1xf32>,
    return
  }
}

</mosaic_0001>

<sc_bundles>
// kernel: kernel.4.cloned.1.call-start
scs
__scs_entry_jumppad:
0x0: {  	(pc) =	sbr.rel $0x88, $3  }
0x1: {  	(tag) =	ssettag $0x0;
	lr =	simm.s32 $0x1  }
0x2: {  	[smem:$0x3F9F] =	sst lr;
	_ =	strace $0xD0000000  }
0x3: {  	_ = 	snop  }
0x4: {  	_ = 	snop  }
0x5: {  	_ = 	snop  }
0x6: {  	_ = 	snop  }
0x7: {  	_ = 	snop  }
__scs_overlays_trampoline_lowered:
0x8: {  	[smem:$0x3FAE] =	sst s0  }
0x9: {  	[smem:$0x3FAF] =	sst s1  }
0xa: {  	[smem:$0x3FB0] =	sst s2  }
0xb: {  	[smem:$0x3FB1] =	sst s3  }
0xc: {  	[smem:$0x3FB2] =	sst s4  }
0xd: {  	[smem:$0x3FB3] =	sst s5  }
0xe: {  	[smem:$0x3FB4] =	sst s6  }
0xf: {  	[smem:$0x3FB5] =	sst s7  }
0x10: {  	[smem:$0x3FB6] =	sst s8  }
0x11: {  	[smem:$0x3FB7] =	sst s9;
	s0 =	simm.s32 @!p0 $0x0  }
0x12: {  	s1 =	sld [smem:$0x3F9D];
	s0 =	simm.s32 @p0 $0x1  }
0x13: {  	[smem:$0x3FB8] =	sst s0;
	s0 =	simm.s32 @!p1 $0x0  }
0x14: {  	s2 =	sld [smem:$0x3F9C];
	s0 =	simm.s32 @p1 $0x1  }
0x15: {  	[smem:$0x3FB9] =	sst s0;
	s0 =	simm.s32 @!p2 $0x0  }
0x16: {  	s3 =	sld [smem:$0x3FDB];
	s0 =	simm.s32 @p2 $0x1  }
0x17: {  	s4 =	simm.s32 $0x1BF5;
	[smem:$0x3FBB] =	sst s0  }
0x18: {  	s0 =	sld [smem:$0x3F9E];
	_ =	swait.ge [sflag:s4], $0x0  }
0x19: {  	s7 =	sld [smem:$0x3F9F]  }
0x1a: {  	s8 =	sadd.s32 $0xFFFFE003, lr  }
0x1b: {  	s9 =	sadd.s32 $0xFFFFFEF7, lr;
	s5 =	simm.s32 $0xFFFFFFFF;
	p2 =	slt.u32 s8, $0xFFFFF086  }
0x1c: {  	p1 =	slt.u32 s9, $0xF7A;
	s5 =	simm.s32 @!p2 $0x0  }
0x1d: {  	s5 =	simm.s32 @p1 $0x1;
	p0 =	seq.s32 s7, s2  }
0x1e: {  	s7 =	smul.u32 @!p0 $0xF7A, s2;
	p2 =	seq.s32 @!p0 s5, $0x0  }
0x1f: {  	s9 =	smul.u32 $0xF7A, s1;
	s8 =	simm.s32 @!p0 $0x1BF5;
	p2 =	por !p2, p0  }
0x20: {  	[sflag:s8] =	ssyncset.s32 @!p0 $0xFFFFF086;
	s6 =	sadd.s32 @!p0 s3, s7;
	s7 =	simm.s32 @!p0 $0x108  }
0x21: {  	s3 =	sadd.s32 s3, s9;
	s6 =	sadd.s32 @!p0 $0x88, s6;
	s7 =	simm.s32 @p2 $0x1082  }
0x22: {  	[simem:s7], [sflag:s8] =	dma.local @!p0 [hbm:s6], $0xF7A  }
0x23: {  	s9 =	sor.u32 $0xD0000000, s2;
	s6 =	simm.s32 $0x108;
	_ =	swait.ge @!p0 [sflag:s8], $0x0  }
0x24: {  	s3 =	sadd.s32 $0x88, s3;
	s6 =	simm.s32 @!p1 $0x1082;
	[sflag:s4] =	ssyncset.s32 $0xFFFFF086  }
0x25: {  	[simem:s6], [sflag:s4] =	dma.local [hbm:s3], $0xF7A  }
0x26: {  	[smem:$0x3F9F] =	sst s1;
	(tag) =	ssettag s2;
	_ =	strace s9  }
0x27: {  	s1 =	sld [smem:$0x3FAF]  }
0x28: {  	s2 =	sld [smem:$0x3FB0]  }
0x29: {  	s4 =	sld [smem:$0x3FB2]  }
0x2a: {  	p0 =	seq.s32 s5, $0x0;
	s5 =	sld [smem:$0x3FB3]  }
0x2b: {  	s6 =	sld [smem:$0x3FB4]  }
0x2c: {  	s7 =	sld [smem:$0x3FB5]  }
0x2d: {  	s3 =	simm.s32 $0x108;
	s8 =	sld [smem:$0x3FB6]  }
0x2e: {  	s3 =	simm.s32 @!p0 $0x1082;
	s9 =	sld [smem:$0x3FB7]  }
0x2f: {  	lr =	sadd.s32 s0, s3;
	s0 =	sld [smem:$0x3FAE]  }
0x30: {  	s3 =	sld [smem:$0x3FB1]  }
0x31: {  	[smem:$0x3FBA] =	sst s10  }
0x32: {  	s10 =	sld [smem:$0x3FB8];
	_ =	sdelay $0x3  }
0x33: {  	p0 =	seq.s32 s10, $0x1;
	s10 =	sld [smem:$0x3FBA];
	_ =	sdelay $0x3  }
0x34: {  	[smem:$0x3FBA] =	sst s10  }
0x35: {  	s10 =	sld [smem:$0x3FB9];
	_ =	sdelay $0x3  }
0x36: {  	p1 =	seq.s32 s10, $0x1;
	s10 =	sld [smem:$0x3FBA];
	_ =	sdelay $0x3  }
0x37: {  	[smem:$0x3FBA] =	sst s10  }
0x38: {  	s10 =	sld [smem:$0x3FBB]  }
0x39: {  	_ = 	snop;
	(pc) =	sbr.ind lr, $3  }
0x3a: {  	_ = 	snop  }
0x3b: {  	_ = 	snop  }
0x3c: {  	p2 =	seq.s32 s10, $0x1;
	s10 =	sld [smem:$0x3FBA]  }
0x3d: {  	_ =	shalt  }
0x3e: {  	_ =	shalt  }
0x3f: {  	_ =	shalt  }
0x40: {  	_ =	shalt  }
0x41: {  	_ =	shalt  }
0x42: {  	_ =	shalt  }
0x43: {  	_ =	shalt  }
0x44: {  	_ =	shalt  }
0x45: {  	_ =	shalt  }
0x46: {  	_ =	shalt  }
0x47: {  	_ =	shalt  }
0x48: {  	_ =	shalt  }
0x49: {  	_ =	shalt  }
0x4a: {  	_ =	shalt  }
0x4b: {  	_ =	shalt  }
0x4c: {  	_ =	shalt  }
0x4d: {  	_ =	shalt  }
0x4e: {  	_ =	shalt  }
0x4f: {  	_ =	shalt  }
0x50: {  	_ =	shalt  }
0x51: {  	_ =	shalt  }
0x52: {  	_ =	shalt  }
0x53: {  	_ =	shalt  }
0x54: {  	_ =	shalt  }
0x55: {  	_ =	shalt  }
0x56: {  	_ =	shalt  }
0x57: {  	_ =	shalt  }
0x58: {  	_ =	shalt  }
0x59: {  	_ =	shalt  }
0x5a: {  	_ =	shalt  }
0x5b: {  	_ =	shalt  }
0x5c: {  	_ =	shalt  }
0x5d: {  	_ =	shalt  }
0x5e: {  	_ =	shalt  }
0x5f: {  	_ =	shalt  }
0x60: {  	_ =	shalt  }
0x61: {  	_ =	shalt  }
0x62: {  	_ =	shalt  }
0x63: {  	_ =	shalt  }
0x64: {  	_ =	shalt  }
0x65: {  	_ =	shalt  }
0x66: {  	_ =	shalt  }
0x67: {  	_ =	shalt  }
0x68: {  	_ =	shalt  }
0x69: {  	_ =	shalt  }
0x6a: {  	_ =	shalt  }
0x6b: {  	_ =	shalt  }
0x6c: {  	_ =	shalt  }
0x6d: {  	_ =	shalt  }
0x6e: {  	_ =	shalt  }
0x6f: {  	_ =	shalt  }
0x70: {  	_ =	shalt  }
0x71: {  	_ =	shalt  }
0x72: {  	_ =	shalt  }
0x73: {  	_ =	shalt  }
0x74: {  	_ =	shalt  }
0x75: {  	_ =	shalt  }
0x76: {  	_ =	shalt  }
0x77: {  	_ =	shalt  }
0x78: {  	_ =	shalt  }
0x79: {  	_ =	shalt  }
0x7a: {  	_ =	shalt  }
0x7b: {  	_ =	shalt  }
0x7c: {  	_ =	shalt  }
0x7d: {  	_ =	shalt  }
0x7e: {  	_ =	shalt  }
0x7f: {  	_ =	shalt  }
0x80: {  	_ =	shalt  }
0x81: {  	_ =	shalt  }
0x82: {  	_ =	shalt  }
0x83: {  	_ =	shalt  }
0x84: {  	_ =	shalt  }
0x85: {  	_ =	shalt  }
0x86: {  	_ =	shalt  }
0x87: {  	_ =	shalt  }
.Lfunc_end0:
.L_simem_size_0:
called_computation_lowered:
.L_overlay_start_0:
0x88: {  	s0 =	sld [smem:$0x3FD9]  }
0x89: {  	s1 =	sld [smem:$0x3FFE];
	_ =	sdelay $0x3  }
0x8a: {  	s0 =	sadd.s32 s1, s0  }
0x8b: {  	[smem:$0x3FC6] =	sst s0  }
0x8c: {  	_ = 	snop  }
0x8d: {  	s0 =	sld [smem:$0x3FD0];
	_ =	sdelay $0x2  }
0x8e: {  	s13 =	simm.s32 $0xA;
	s2 =	simm.s32 $0x10  }
0x8f: {  	[smem:s2], [sflag:s13] =	dma.local [hbm:s0], $0x1  }
0x90: {  	_ =	swait.eq [sflag:s13], $0x1  }
0x91: {  	[sflag:s13] =	ssyncset.done $0x0  }
0x92: {  	[sflag:s13] =	ssyncadd.s32 $0xFFFFFFFF  }
0x93: {  	s14 =	sld [smem:$0x10];
	(tm) =	ssettm $0x1  }
0x94: {  	s15 =	sld [smem:$0x3FFB];
	_ =	sdelay $0x3  }
0x95: {  	_ =	strace s15  }
0x96: {  	s1 =	sld [smem:$0x3FFC];
	_ =	sdelay $0x3  }
0x97: {  	_ =	strace s1  }
0x98: {  	s1 =	sld [smem:$0x3FFD];
	_ =	sdelay $0x3  }
0x99: {  	_ =	strace s1  }
0x9a: {  	_ =	strace $0x8FFFFFFF  }
0x9b: {  	s16 =	sld [smem:$0x3FDB];
	_ =	sdelay $0x1  }
0x9c: {  	s17 =	simm.s32 $_scs_section_size  }
0x9d: {  	s3 =	simm.s32 $_size__tile_overlayer_lowered;
	s4 =	simm.s32 $_tile_overlayer_lowered  }
0x9e: {  	s20 =	simm.s32 $0x1BFF;
	s19 =	sshll.u32 s4, $0x1;
	s1 =	sadd.s32 s17, s16  }
0x9f: {  	s5 =	simm.s32 $0x0;
	s18 =	sshll.u32 s3, $0x1;
	s3 =	sadd.s32 s19, s1  }
0xa0: {  	[timem:s5], [sflag:s20] =	dma.local [hbm:s3], s18  }
0xa1: {  	_ =	swait.ge [sflag:s20], s18  }
0xa2: {  	s2 =	ssub.s32 $0x0, s18;
	[sflag:s20] =	ssyncset.done $0x0  }
0xa3: {  	[sflag:s20] =	ssyncadd.s32 s2;
	_ =	sdelay $0x1  }
0xa4: {  	s21 =	simm.s32 $0x1B8B  }
0xa5: {  	_ =	swait.ge [sflag:s21], $0x1  }
0xa6: {  	[sflag:s21] =	ssyncset.done $0x0  }
0xa7: {  	s23 =	simm.s32 $0x1B8E;
	s22 =	sld [smem:$0x3FFE];
	[sflag:s21] =	ssyncadd.s32 $0xFFFFFFFF  }
0xa8: {  	s24 =	simm.s32 $execute0_lowered;
	[smem:$0x3FD2] =	sst s23  }
0xa9: {  	s3 =	sshll.u32 s24, $0x1;
	_ =	strace $0x80000046;
	[dreg:$0x1] =	wrdreg $0xFFFFFFFF  }
0xaa: {  	s25 =	simm.s32 $_size_execute0_lowered;
	s1 =	sadd.s32 s1, s3;
	[dreg:$0x0] =	wrdreg $0x0  }
0xab: {  	s3 =	sshll.u32 s25, $0x1;
	[dreg:$0x2] =	wrdreg s1  }
0xac: {  	[dreg:$0x3] =	wrdreg s3  }
0xad: {  	[dreg:$0x4] =	wrdreg $0xC0  }
0xae: {  	_ =	task [dreg:s5], $0x5FFFF  }
0xaf: {  	[dreg:$0x1] =	wrdreg $0xFFFFFFFF  }
0xb0: {  	[dreg:$0x0] =	wrdreg $0x60  }
0xb1: {  	[dreg:$0x2] =	wrdreg s22  }
0xb2: {  	[dreg:$0x3] =	wrdreg s14  }
0xb3: {  	[dreg:$0x4] =	wrdreg $0x9  }
0xb4: {  	_ =	task.clear_ibuf [dreg:s5], $0x5FFFF;
	_ =	strace $0x90000046  }
0xb5: {  	s26 =	simm.s32 $0x9;
	_ =	strace $0x80000048  }
0xb6: {  	_ =	swait.ge [sflag:s26], $0x1  }
0xb7: {  	[sflag:s26] =	ssyncadd.s32 $0xFFFFFFFF  }
0xb8: {  	_ =	strace $0x90000048  }
0xb9: {  	_ =	sfence  }
0xba: {  	s28 =	sld [smem:$0x0];
	_ =	sdelay $0x1  }
0xbb: {  	s29 =	srdreg.scid  }
0xbc: {  	s30 =	sshll.u32 s29, $0xD;
	s31 =	sshrl.u32 s29, $0x2  }
0xbd: {  	s2 =	sand.u32 $0x4000, s30;
	s1 =	sand.u32 $0x1, s29;
	s0 =	sadd.s32 s31, s28  }
0xbe: {  	s1 =	sor.u32 s2, s1;
	s0 =	sshll.u32 s0, $0x11  }
0xbf: {  	s0 =	sor.u32 s0, s1  }
0xc0: {  	s0 =	sadd.s32 $0x8F2B, s0  }
0xc1: {  	[sflag:s0] =	ssyncadd.remote.s32 $0x1  }
0xc2: {  	_ =	sfence.sel $0xFFFF  }
0xc3: {  	[dreg:$0x0] =	wrdreg $0xFFFFFFFF;
	(pc) =	sbr.abs _section_cstart, $3  }
0xc4: {  	[dreg:$0x1] =	wrdreg $0xFFFFFFFF  }
0xc5: {  	_ =	task.clear_ibuf [dreg:s5], $0x2FFFF;
	_ =	strace $0x9FFFFFFF  }
0xc6: {  	(tm) =	ssettm $0x7FFFFFFF  }
0xc7: {  	_ =	shalt  }
tec
execute0_lowered:
.L_overlay_start_1:
0x0: {  	(tag) =	ssettag $0x1  }
0x1: {  	s0 =	rddreg [dreg:$0x0];
	s1 =	stileid.u32  }
0x2: {  	s2 =	rddreg [dreg:$0x1];
	s3 =	smul.u32 $0x24, s1  }
0x3: {  	s4 =	rddreg [dreg:$0x2];
	s5 =	simm.s32 $0x0  }
0x4: {  	[smem:$0x7FF] =	sst s5;
	s3 =	sadd.s32 s3, s0  }
0x5: {  	s25 =	simm.s32 $0x2;
	_ =	strace $0x80000047;
	s3 =	sadd.s32 $0x2C00, s3  }
0x6: {  	[tilespmem:s5], [sflag:$0x2] =	stream.linear.gather [hbm4b:s3+s5], $0x120, $0x38;
	[tilespmem:$0x4920] =	vst v63  }
0x7: {  	_ =	swait.ge [sflag:s25], $0x120  }
0x8: {  	s6 =	simm.s32 $0x48;
	[sflag:s25] =	ssyncset.done $0x0  }
0x9: {  	s7 =	simm.s32 $0x120;
	s0 =	sadd.s32 $0xC00, s0;
	[sflag:s25] =	ssyncadd.s32 $0xFFFFFEE0  }
0xa: {  	[tilespmem:s7], [sflag:$0x1] =	stream.indirect.gather [hbm4b:s0+s6], $0x40, s5, s6, $0xb8;
	[tilespmem:$0x4920] =	vst v63  }
0xb: {  	s8 =	simm.s32 $0x1320  }
0xc: {  	[tilespmem:s8], [sflag:$0x1] =	stream.indirect.gather [hbm4b:s0+s6], $0x40, s6, s6, $0xb8;
	[tilespmem:$0x4920] =	vst v63  }
0xd: {  	s26 =	simm.s32 $0x90;
	s9 =	simm.s32 $0x2520  }
0xe: {  	[tilespmem:s9], [sflag:$0x1] =	stream.indirect.gather [hbm4b:s0+s6], $0x40, s26, s6, $0xb8;
	[tilespmem:$0x4920] =	vst v63  }
0xf: {  	s28 =	simm.s32 $0xD8;
	s29 =	simm.s32 $0x3720;
	s30 =	simm.s32 $0x1  }
0x10: {  	[tilespmem:s29], [sflag:$0x1] =	stream.indirect.gather [hbm4b:s0+s6], $0x40, s28, s6, $0xb8;
	[tilespmem:$0x4920] =	vst v63  }
0x11: {  	_ =	swait.ge [sflag:s30], $0x1200  }
0x12: {  	[sflag:s30] =	ssyncset.done $0x0  }
0x13: {  	[sflag:s30] =	ssyncadd.s32 $0xFFFFEE00  }
0x14: {  	_ =	swait.ge [sflag:s30], $0x1200  }
0x15: {  	[sflag:s30] =	ssyncset.done $0x0  }
0x16: {  	[sflag:s30] =	ssyncadd.s32 $0xFFFFEE00  }
0x17: {  	_ =	swait.ge [sflag:s30], $0x1200  }
0x18: {  	[sflag:s30] =	ssyncset.done $0x0  }
0x19: {  	[sflag:s30] =	ssyncadd.s32 $0xFFFFEE00  }
0x1a: {  	s31 =	smul.u32 $0x900, s1;
	_ =	swait.ge [sflag:s30], $0x1200  }
0x1b: {  	[sflag:s30] =	ssyncset.done $0x0  }
0x1c: {  	s2 =	sadd.s32 s2, s31;
	[sflag:s30] =	ssyncadd.s32 $0xFFFFEE00  }
0x1d: {  	[hbm4b:s2+s5] =	stream.linear.scatter [tilespmem:s7], [sflag:$0x2], $0x4800, $0x38;
	[tilespmem:$0x4920] =	vst v63  }
0x1e: {  	_ =	swait.ge [sflag:s25], $0x4800  }
0x1f: {  	[sflag:s25] =	ssyncset.done $0x0  }
0x20: {  	[sflag:s25] =	ssyncadd.s32 $0xFFFFB800  }
0x21: {  	_ =	sfence.sel $0x180000  }
0x22: {  	[bflag:$0x0] =	sbarrier.arrive $0xFFFF  }
0x23: {  	p0 =	sne.s32 s1, $0x0;
	_ =	strace $0x90000047  }
0x24: {  	s0 =	sadd.s32 @!p0 $0x100000, s4;
	[bflag:$0x2] =	sbarrier.arrive $0xFFFF  }
0x25: {  	[sflag:s0] =	ssyncadd.tile.s32 @!p0 $0x1;
	_ =	shalt  }
.Lfunc_end2:
_tile_overlayer_lowered:
.L_overlay_start_2:
0x26: {  	(tag) =	ssettag $0x2  }
0x27: {  	s0 =	rddreg [dreg:$0x0];
	s2 =	stileid.u32  }
0x28: {  	s1 =	rddreg [dreg:$0x1];
	p0 =	sne.s32 s2, $0x0  }
0x29: {  	s3 =	rddreg [dreg:$0x2];
	[bflag:$0x3] =	sbarrier.arrive $0xFFFF;
	s2 =	simm.s32 @!p0 $0x1C02  }
0x2a: {  	[timem:s3], [sflag:s2] =	dma.local @!p0 [hbm:s0], s1  }
0x2b: {  	s0 =	simm.s32 @!p0 $0x2  }
0x2c: {  	_ =	swait.ge @!p0 [sflag:s0], s1  }
0x2d: {  	s1 =	ssub.s32 @!p0 $0x0, s1;
	[sflag:s0] =	ssyncset.done @!p0 $0x0  }
0x2e: {  	[sflag:s0] =	ssyncadd.s32 @!p0 s1  }
0x2f: {  	[bflag:$0x3] =	sbarrier.arrive $0xFFFF  }
0x30: {  	_ =	shalt  }

</sc_bundles>
